<compile_context>
chip_gen: v7x
topology: tpu7x:2x2x1
jax: 0.10.2.dev20260603
libtpu: 0.0.44.dev20260713+nightly
codegen_flags: <defaults>
</compile_context>

<pallas_src>
import functools

import jax
import jax.numpy as jnp
from jax import lax
from jax.experimental import pallas as pl
from jax.experimental.pallas import tpu as pltpu
from jax.experimental.pallas import tpu_sc as plsc

N = 10000
E = 320000
NP = N + 8
NC, NS = 2, 16
NW = NC * NS
CH = 128
EPW = 10240
NCHUNK = EPW // CH
E_PAD = NW * EPW
NCA = 2 * NCHUNK
HD2 = 64
NBUF = 4
RPS = 624

BN = 2000

def _mesh():
    return plsc.VectorSubcoreMesh(
        core_axis_name="c", subcore_axis_name="s",
        num_cores=NC, num_subcores=NS)



def _gru_body(up_ref, wih_ref, whh_ref, bih_ref, bhh_ref, gcnw_ref, degt_ref,
              xws_ref, dinv_ref):
    wih = wih_ref[...]
    whh = whh_ref[...]
    bih = bih_ref[...]
    bhh = bhh_ref[...]
    hd = whh.shape[0]
    h = jnp.zeros((up_ref.shape[1], hd), jnp.float32)
    for t in range(up_ref.shape[0]):
        x = up_ref[t]
        gi = jnp.dot(x, wih, preferred_element_type=jnp.float32) + bih
        gh = jnp.dot(h, whh, preferred_element_type=jnp.float32) + bhh
        r = jax.nn.sigmoid(gi[:, :hd] + gh[:, :hd])
        z = jax.nn.sigmoid(gi[:, hd:2 * hd] + gh[:, hd:2 * hd])
        n = jnp.tanh(gi[:, 2 * hd:] + r * gh[:, 2 * hd:])
        h = (1.0 - z) * n + z * h
    xw = jnp.dot(h, gcnw_ref[...], preferred_element_type=jnp.float32)
    deg = degt_ref[:, 0:1] + degt_ref[:, 1:2] + 1.0
    dinv = lax.rsqrt(deg)
    dinv_ref[...] = dinv
    xws = (xw * dinv).astype(jnp.bfloat16)
    xws_ref[0] = xws[:, :HD2]
    xws_ref[1] = xws[:, HD2:]


def _gru_call(up, wihT, whhT, bih, bhh, gcn_w, degt):
    seq, n, ind = up.shape
    g3 = wihT.shape[1]
    return pl.pallas_call(
        _gru_body,
        grid=(n // BN,),
        in_specs=[
            pl.BlockSpec((seq, BN, ind), lambda i: (0, i, 0)),
            pl.BlockSpec((ind, g3), lambda i: (0, 0)),
            pl.BlockSpec((whhT.shape[0], g3), lambda i: (0, 0)),
            pl.BlockSpec((1, g3), lambda i: (0, 0)),
            pl.BlockSpec((1, g3), lambda i: (0, 0)),
            pl.BlockSpec(gcn_w.shape, lambda i: (0, 0)),
            pl.BlockSpec((BN, 2), lambda i: (i, 0)),
        ],
        out_specs=[
            pl.BlockSpec((2, BN, HD2), lambda i: (0, i, 0)),
            pl.BlockSpec((BN, 1), lambda i: (i, 0)),
        ],
        out_shape=[
            jax.ShapeDtypeStruct((2, n, HD2), jnp.bfloat16),
            jax.ShapeDtypeStruct((n, 1), jnp.float32),
        ],
    )(up, wihT, whhT, bih, bhh, gcn_w, degt)



def _deg_body(dst_hbm, ones_hbm, zdeg_hbm, out_hbm, dst_v, ones_v, acc):
    c = lax.axis_index("c")
    s = lax.axis_index("s")
    wid = s * NC + c
    pltpu.sync_copy(dst_hbm.at[wid], dst_v)
    pltpu.sync_copy(ones_hbm, ones_v)

    @pl.when(s == 0)
    def _():
        pltpu.sync_copy(zdeg_hbm, acc)

    plsc.subcore_barrier()

    def body(g, carry):
        pltpu.sync_copy(ones_v, acc.at[dst_v.at[g]], add=True)
        return carry

    lax.fori_loop(0, NCHUNK, body, 0)
    plsc.subcore_barrier()

    @pl.when(s == 0)
    def _():
        pltpu.sync_copy(acc, out_hbm.at[c])


@functools.cache
def _deg_kernel_fn():
    return pl.kernel(
        _deg_body,
        out_type=jax.ShapeDtypeStruct((NC, NP), jnp.float32),
        mesh=_mesh(),
        scratch_types=[
            pltpu.VMEM((NCHUNK, CH), jnp.int32),
            pltpu.VMEM((CH,), jnp.float32),
            pltpu.VMEM_SHARED((NP,), jnp.float32),
        ],
        name="sc_degree",
    )


def _deg_kernel(dst_p, ones, zdeg):
    return _deg_kernel_fn()(dst_p, ones, zdeg)



def _agg_body(src_hbm, dst_hbm, xws_hbm, zrows_hbm, out_hbm,
              src_v, dst_v, rows0, rows1, rows2, rows3,
              gsem0, gsem1, gsem2, gsem3, ssem0, ssem1, ssem2, ssem3,
              acca, accb):
    c = lax.axis_index("c")
    s = lax.axis_index("s")
    pltpu.sync_copy(src_hbm.at[s], src_v)
    pltpu.sync_copy(dst_hbm.at[s], dst_v)

    base = s * RPS
    tail = NS * RPS

    pltpu.sync_copy(xws_hbm.at[c].at[pl.ds(base, RPS)],
                    acca.at[pl.ds(base, RPS)])
    for q, sz in ((0, CH), (CH, CH), (2 * CH, CH), (3 * CH, CH),
                  (4 * CH, RPS - 4 * CH)):
        pltpu.sync_copy(zrows_hbm.at[pl.ds(0, sz)],
                        accb.at[pl.ds(base + q, sz)])

    @pl.when(s == 0)
    def _():
        pltpu.sync_copy(xws_hbm.at[c].at[pl.ds(tail, N - tail)],
                        acca.at[pl.ds(tail, N - tail)])
        pltpu.sync_copy(zrows_hbm.at[pl.ds(0, NP - N)],
                        acca.at[pl.ds(N, NP - N)])
        pltpu.sync_copy(zrows_hbm.at[pl.ds(0, NP - tail)],
                        accb.at[pl.ds(tail, NP - tail)])

    plsc.subcore_barrier()

    table = xws_hbm.at[c]
    rows = (rows0, rows1, rows2, rows3)
    gsem = (gsem0, gsem1, gsem2, gsem3)
    ssem = (ssem0, ssem1, ssem2, ssem3)

    for b in range(NBUF):
        pltpu.async_copy(table.at[src_v.at[b]], rows[b], gsem[b])

    accs = (acca, accb)

    def body(i0, carry):
        for b in range(NBUF):
            j = i0 * NBUF + b
            acc = accs[b % 2]
            pltpu.make_async_copy(table.at[src_v.at[j]], rows[b],
                                  gsem[b]).wait()
            pltpu.async_copy(rows[b], acc.at[dst_v.at[j]], ssem[b], add=True)
            kb = (b - 1) % NBUF
            k = j - 1
            kacc = accs[kb % 2]

            @pl.when((k >= 0) & (k + NBUF < NCA))
            def _():
                pltpu.make_async_copy(rows[kb], kacc.at[dst_v.at[k]],
                                      ssem[kb]).wait()
                pltpu.async_copy(table.at[src_v.at[k + NBUF]], rows[kb],
                                 gsem[kb])
        return carry

    lax.fori_loop(0, NCA // NBUF, body, 0)
    for b in range(NBUF):
        j = NCA - NBUF + b
        pltpu.make_async_copy(rows[b], accs[b % 2].at[dst_v.at[j]],
                              ssem[b]).wait()
    plsc.subcore_barrier()
    for p in range(2):
        pltpu.sync_copy(accs[p].at[pl.ds(base, RPS)],
                        out_hbm.at[c].at[p].at[pl.ds(base, RPS)])

    @pl.when(s == 0)
    def _():
        for p in range(2):
            pltpu.sync_copy(accs[p].at[pl.ds(tail, N - tail)],
                            out_hbm.at[c].at[p].at[pl.ds(tail, N - tail)])


@functools.cache
def _agg_kernel_fn():
    return pl.kernel(
        _agg_body,
        out_type=jax.ShapeDtypeStruct((NC, 2, NP, HD2), jnp.bfloat16),
        mesh=_mesh(),
        scratch_types=[
            pltpu.VMEM((NCA, CH), jnp.int32),
            pltpu.VMEM((NCA, CH), jnp.int32),
            pltpu.VMEM((CH, HD2), jnp.bfloat16),
            pltpu.VMEM((CH, HD2), jnp.bfloat16),
            pltpu.VMEM((CH, HD2), jnp.bfloat16),
            pltpu.VMEM((CH, HD2), jnp.bfloat16),
            pltpu.SemaphoreType.DMA,
            pltpu.SemaphoreType.DMA,
            pltpu.SemaphoreType.DMA,
            pltpu.SemaphoreType.DMA,
            pltpu.SemaphoreType.DMA,
            pltpu.SemaphoreType.DMA,
            pltpu.SemaphoreType.DMA,
            pltpu.SemaphoreType.DMA,
            pltpu.VMEM_SHARED((NP, HD2), jnp.bfloat16),
            pltpu.VMEM_SHARED((NP, HD2), jnp.bfloat16),
        ],
        compiler_params=pltpu.CompilerParams(use_tc_tiling_on_sc=False),
        name="sc_edge_aggregate",
    )


def _agg_kernel(src_p, dst_p, xws, zrows):
    return _agg_kernel_fn()(src_p, dst_p, xws, zrows)



def _heads_body(a00_ref, a01_ref, a10_ref, a11_ref, dinv_ref, gcnb_ref,
                f1w_ref, f1b_ref, f2w_ref, f2b_ref, clw_ref, clb_ref,
                md_ref, cl_ref):
    h0 = (a00_ref[0, 0].astype(jnp.float32) + a01_ref[0, 0].astype(jnp.float32))
    h1c = (a10_ref[0, 0].astype(jnp.float32) + a11_ref[0, 0].astype(jnp.float32))
    t = (jnp.concatenate([h0, h1c], axis=1) * dinv_ref[...] + gcnb_ref[...])
    h1 = jnp.maximum(
        jnp.dot(t, f1w_ref[...], preferred_element_type=jnp.float32)
        + f1b_ref[...], 0.0)
    md_ref[...] = (jnp.dot(h1, f2w_ref[...], preferred_element_type=jnp.float32)
                   + f2b_ref[...])
    cl_ref[...] = (jnp.dot(t, clw_ref[...], preferred_element_type=jnp.float32)
                   + clb_ref[...])


def _heads_call(accs, dinv, gcnb, f1w, f1b, f2w, f2b, clw, clb):
    d = 2 * accs.shape[3]
    ff = f1w.shape[1]
    k = clw.shape[1]
    return pl.pallas_call(
        _heads_body,
        grid=(N // BN,),
        in_specs=[
            pl.BlockSpec((1, 1, BN, HD2), lambda i: (0, 0, i, 0)),
            pl.BlockSpec((1, 1, BN, HD2), lambda i: (0, 1, i, 0)),
            pl.BlockSpec((1, 1, BN, HD2), lambda i: (1, 0, i, 0)),
            pl.BlockSpec((1, 1, BN, HD2), lambda i: (1, 1, i, 0)),
            pl.BlockSpec((BN, 1), lambda i: (i, 0)),
            pl.BlockSpec((1, d), lambda i: (0, 0)),
            pl.BlockSpec((d, ff), lambda i: (0, 0)),
            pl.BlockSpec((1, ff), lambda i: (0, 0)),
            pl.BlockSpec((ff, 1), lambda i: (0, 0)),
            pl.BlockSpec((1, 1), lambda i: (0, 0)),
            pl.BlockSpec((d, k), lambda i: (0, 0)),
            pl.BlockSpec((1, k), lambda i: (0, 0)),
        ],
        out_specs=[
            pl.BlockSpec((BN, 1), lambda i: (i, 0)),
            pl.BlockSpec((BN, k), lambda i: (i, 0)),
        ],
        out_shape=[
            jax.ShapeDtypeStruct((N, 1), jnp.float32),
            jax.ShapeDtypeStruct((N, k), jnp.float32),
        ],
    )(accs, accs, accs, accs, dinv, gcnb, f1w, f1b, f2w, f2b, clw, clb)



def kernel(user_profiles, interactions, edge_index, W_ih, W_hh, b_ih, b_hh,
           gcn_w, gcn_b, ff1_w, ff1_b, ff2_w, ff2_b, cl_w, cl_b):
    del interactions
    ei = edge_index.astype(jnp.int32)
    pad = E_PAD - E
    src_flat = jnp.concatenate([ei[0], jnp.zeros((pad,), jnp.int32)])
    dst_flat = jnp.concatenate([ei[1], jnp.full((pad,), N, jnp.int32)])
    dst_p = dst_flat.reshape(NW, NCHUNK, CH)
    src_a = src_flat.reshape(NS, NCA, CH)
    dst_a = dst_flat.reshape(NS, NCA, CH)
    ones = jnp.ones((CH,), jnp.float32)
    zdeg = jnp.zeros((NP,), jnp.float32)
    zrows = jnp.zeros((CH, HD2), jnp.bfloat16)

    degp = _deg_kernel(dst_p, ones, zdeg)
    degt = jnp.transpose(degp)[:N]
    xws, dinv = _gru_call(user_profiles, W_ih.T, W_hh.T,
                          b_ih.reshape(1, -1), b_hh.reshape(1, -1),
                          gcn_w, degt)
    accs = _agg_kernel(src_a, dst_a, xws, zrows)
    md, cl = _heads_call(accs, dinv, gcn_b.reshape(1, -1),
                         ff1_w, ff1_b.reshape(1, -1),
                         ff2_w, ff2_b.reshape(1, 1),
                         cl_w, cl_b.reshape(1, -1))
    return (md, cl)

# --- scband reference (transcript-rebuilt; emitter-appended) ---
"""Pipeline reference for scband-user-profiling-model-16466904612940 (READ-ONLY COPY).

The authoritative reference and input builder live on the scoring server;
editing this copy changes nothing except your own understanding.
"""

import jax, jax.numpy as jnp
import numpy as np

SEQ = 8
N = 10000
E = 320000
IN = 128
H = 128
GCN = 128
FF = 64
K = 16


def setup_inputs(seed: int = 0) -> dict:
    key = jax.random.key(seed)
    ks = jax.random.split(key, 20)
    s_in = 1.0 / np.sqrt(IN)
    s_h = 1.0 / np.sqrt(H)
    s_g = 1.0 / np.sqrt(GCN)
    s_f = 1.0 / np.sqrt(FF)
    inp = {}
    inp["user_profiles"] = jax.random.normal(ks[0], (SEQ, N, IN), dtype=jnp.float32)
    inp["interactions"] = jax.random.normal(ks[1], (N, 16), dtype=jnp.float32)
    inp["edge_index"] = jax.random.randint(ks[2], (2, E), 0, N, dtype=jnp.int64)
    # GRU parameters (PyTorch layout: W_ih [3H, IN], W_hh [3H, H])
    inp["W_ih"] = jax.random.normal(ks[3], (3 * H, IN), dtype=jnp.float32) * s_h
    inp["W_hh"] = jax.random.normal(ks[4], (3 * H, H), dtype=jnp.float32) * s_h
    inp["b_ih"] = jax.random.normal(ks[5], (3 * H,), dtype=jnp.float32) * s_h
    inp["b_hh"] = jax.random.normal(ks[6], (3 * H,), dtype=jnp.float32) * s_h
    # GCNConv parameters
    inp["gcn_w"] = jax.random.normal(ks[7], (H, GCN), dtype=jnp.float32) * s_h
    inp["gcn_b"] = jnp.zeros((GCN,), dtype=jnp.float32)
    # FFNN parameters
    inp["ff1_w"] = jax.random.normal(ks[8], (GCN, FF), dtype=jnp.float32) * s_g
    inp["ff1_b"] = jax.random.normal(ks[9], (FF,), dtype=jnp.float32) * s_g
    inp["ff2_w"] = jax.random.normal(ks[10], (FF, 1), dtype=jnp.float32) * s_f
    inp["ff2_b"] = jax.random.normal(ks[11], (1,), dtype=jnp.float32) * s_f
    # cluster layer parameters
    inp["cl_w"] = jax.random.normal(ks[12], (GCN, K), dtype=jnp.float32) * s_g
    inp["cl_b"] = jax.random.normal(ks[13], (K,), dtype=jnp.float32) * s_g
    return inp


def reference(user_profiles, interactions, edge_index, W_ih, W_hh, b_ih, b_hh,
              gcn_w, gcn_b, ff1_w, ff1_b, ff2_w, ff2_b, cl_w, cl_b):
    # interactions is accepted by the original forward but never used.
    hdim = W_hh.shape[1]

    def gru_step(h, x_t):
        gi = x_t @ W_ih.T + b_ih
        gh = h @ W_hh.T + b_hh
        i_r, i_z, i_n = jnp.split(gi, 3, axis=-1)
        h_r, h_z, h_n = jnp.split(gh, 3, axis=-1)
        r = jax.nn.sigmoid(i_r + h_r)
        z = jax.nn.sigmoid(i_z + h_z)
        n = jnp.tanh(i_n + r * h_n)
        h_new = (1.0 - z) * n + z * h
        return h_new, None

    h0 = jnp.zeros((user_profiles.shape[1], hdim), dtype=user_profiles.dtype)
    user_embeddings, _ = jax.lax.scan(gru_step, h0, user_profiles)

    # GCNConv (torch_geometric semantics: add self-loops, symmetric norm, sum-aggregate)
    num_nodes = user_embeddings.shape[0]
    loop = jnp.arange(num_nodes, dtype=edge_index.dtype)
    src = jnp.concatenate([edge_index[0], loop])
    dst = jnp.concatenate([edge_index[1], loop])
    deg = jnp.zeros((num_nodes,), dtype=user_embeddings.dtype).at[dst].add(1.0)
    deg_inv_sqrt = jnp.where(deg > 0, 1.0 / jnp.sqrt(deg), 0.0)
    norm = deg_inv_sqrt[src] * deg_inv_sqrt[dst]
    xw = user_embeddings @ gcn_w
    msgs = xw[src] * norm[:, None]
    transformed = jnp.zeros_like(xw).at[dst].add(msgs) + gcn_b

    h1 = jax.nn.relu(transformed @ ff1_w + ff1_b)
    max_depth = h1 @ ff2_w + ff2_b
    clusters = transformed @ cl_w + cl_b
    return (max_depth, clusters)

if __name__ == "__main__":
    import jax
    _d = setup_inputs()
    print(jax.jit(kernel)(*tuple(_d.values())))

</pallas_src>

<mosaic_0001>
#map = affine_map<(d0, d1) -> (0, 0, 0)>
#map1 = affine_map<(d0, d1) -> (0)>
#map2 = affine_map<(d0, d1) -> (0, 0)>
module attributes {stable_mosaic.version = 14 : i64} {
  func.func @sc_degree(%arg0: i32, %arg1: i32, %arg2: memref<32x80x128xi32, #tpu.memory_space<hbm>>, %arg3: memref<128xf32, #tpu.memory_space<hbm>>, %arg4: memref<10008xf32, #tpu.memory_space<hbm>>, %arg5: memref<2x10008xf32, #tpu.memory_space<hbm>>, %arg6: memref<80x128xi32, #tpu.memory_space<vmem>>, %arg7: memref<128xf32, #tpu.memory_space<vmem>>, %arg8: memref<10008xf32, #tpu.memory_space<vmem_shared>>) attributes {dimension_semantics = [#tpu.dimension_semantics<core_parallel>, #tpu.dimension_semantics<subcore_parallel>], iteration_bounds = array<i64: 2, 16>, scalar_prefetch = 0 : i64, scratch_operands = 3 : i64, tpu.core_type = #tpu.core_type<sc_vector_subcore>, window_params = [{transform_indices = #map}, {transform_indices = #map1}, {transform_indices = #map1}, {transform_indices = #map2}]} {
    %mul3A = arith.constant 2 : i32
    %mul3A_0 = arith.muli %arg1, %mul3A : i32
    %add3A = arith.addi %mul3A_0, %arg0 : i32
    "tpu.region"() ({
      %run_scoped3A = tpu.sem_alloc : memref<!tpu.dma_semaphore, #tpu.memory_space<semaphore_mem>>
      %dma_start3A = arith.constant 0 : i32
      %dma_start3A_14 = arith.constant 0 : i32
      %dma_start3A_15 = tpu.memref_slice %arg2[%add3A, %dma_start3A, %dma_start3A_14] : memref<32x80x128xi32, #tpu.memory_space<hbm>> -> memref<1x80x128xi32, #tpu.memory_space<hbm>>
      %dma_start3A_16 = tpu.memref_squeeze %dma_start3A_15 : memref<1x80x128xi32, #tpu.memory_space<hbm>> -> memref<80x128xi32, #tpu.memory_space<hbm>>
      %dma_start3A_17 = arith.constant 0 : i32
      %dma_start3A_18 = arith.constant 0 : i32
      %dma_start3A_19 = tpu.memref_slice %arg2[%add3A, %dma_start3A_17, %dma_start3A_18] : memref<32x80x128xi32, #tpu.memory_space<hbm>> -> memref<1x80x128xi32, #tpu.memory_space<hbm>>
      %dma_start3A_20 = tpu.memref_squeeze %dma_start3A_19 : memref<1x80x128xi32, #tpu.memory_space<hbm>> -> memref<80x128xi32, #tpu.memory_space<hbm>>
      tpu.enqueue_dma source(%dma_start3A_20 : memref<80x128xi32, #tpu.memory_space<hbm>>) target(%arg6 : memref<80x128xi32, #tpu.memory_space<vmem>>) target_semaphore(%run_scoped3A : memref<!tpu.dma_semaphore, #tpu.memory_space<semaphore_mem>>)
      %dma_wait3A = arith.constant 0 : i32
      %dma_wait3A_21 = arith.constant 0 : i32
      %dma_wait3A_22 = tpu.memref_slice %arg2[%add3A, %dma_wait3A, %dma_wait3A_21] : memref<32x80x128xi32, #tpu.memory_space<hbm>> -> memref<1x80x128xi32, #tpu.memory_space<hbm>>
      %dma_wait3A_23 = tpu.memref_squeeze %dma_wait3A_22 : memref<1x80x128xi32, #tpu.memory_space<hbm>> -> memref<80x128xi32, #tpu.memory_space<hbm>>
      %dma_wait3A_24 = arith.constant 0 : i32
      %dma_wait3A_25 = arith.constant 0 : i32
      %dma_wait3A_26 = tpu.memref_slice %arg2[%add3A, %dma_wait3A_24, %dma_wait3A_25] : memref<32x80x128xi32, #tpu.memory_space<hbm>> -> memref<1x80x128xi32, #tpu.memory_space<hbm>>
      %dma_wait3A_27 = tpu.memref_squeeze %dma_wait3A_26 : memref<1x80x128xi32, #tpu.memory_space<hbm>> -> memref<80x128xi32, #tpu.memory_space<hbm>>
      tpu.wait_dma2 semaphore(%run_scoped3A : memref<!tpu.dma_semaphore, #tpu.memory_space<semaphore_mem>>) src(%dma_wait3A_27 : memref<80x128xi32, #tpu.memory_space<hbm>>) dst(%arg6 : memref<80x128xi32, #tpu.memory_space<vmem>>)
      tpu.yield
    }) : () -> ()
    "tpu.region"() ({
      %run_scoped3A = tpu.sem_alloc : memref<!tpu.dma_semaphore, #tpu.memory_space<semaphore_mem>>
      tpu.enqueue_dma source(%arg3 : memref<128xf32, #tpu.memory_space<hbm>>) target(%arg7 : memref<128xf32, #tpu.memory_space<vmem>>) target_semaphore(%run_scoped3A : memref<!tpu.dma_semaphore, #tpu.memory_space<semaphore_mem>>)
      tpu.wait_dma2 semaphore(%run_scoped3A : memref<!tpu.dma_semaphore, #tpu.memory_space<semaphore_mem>>) src(%arg3 : memref<128xf32, #tpu.memory_space<hbm>>) dst(%arg7 : memref<128xf32, #tpu.memory_space<vmem>>)
      tpu.yield
    }) : () -> ()
    %eq3A = arith.constant 0 : i32
    %eq3A_1 = arith.cmpi eq, %arg1, %eq3A : i32
    %convert_element_type3A = arith.extui %eq3A_1 : i1 to i32
    %cond3A = arith.constant 0 : i32
    %cond3A_2 = arith.cmpi ne, %convert_element_type3A, %cond3A : i32
    scf.if %cond3A_2 {
      "tpu.region"() ({
        %run_scoped3A = tpu.sem_alloc : memref<!tpu.dma_semaphore, #tpu.memory_space<semaphore_mem>>
        tpu.enqueue_dma source(%arg4 : memref<10008xf32, #tpu.memory_space<hbm>>) target(%arg8 : memref<10008xf32, #tpu.memory_space<vmem_shared>>) target_semaphore(%run_scoped3A : memref<!tpu.dma_semaphore, #tpu.memory_space<semaphore_mem>>)
        tpu.wait_dma2 semaphore(%run_scoped3A : memref<!tpu.dma_semaphore, #tpu.memory_space<semaphore_mem>>) src(%arg4 : memref<10008xf32, #tpu.memory_space<hbm>>) dst(%arg8 : memref<10008xf32, #tpu.memory_space<vmem_shared>>)
        tpu.yield
      }) : () -> ()
    } else {
    }
    %barrier3A = arith.constant 0 : index
    tpu.barrier barrier_id(%barrier3A)
    %scan3A = arith.constant 0 : i32
    %scan3A_3 = arith.constant 0 : i32
    %scan3A_4 = arith.constant 80 : i32
    %scan3A_5 = arith.addi %scan3A_3, %scan3A_4 : i32
    %scan3A_6 = arith.constant 1 : i32
    scf.for %scan3A_14 = %scan3A_3 to %scan3A_5 step %scan3A_6  : i32 {
      "tpu.region"() ({
        %run_scoped3A = tpu.sem_alloc : memref<!tpu.dma_semaphore, #tpu.memory_space<semaphore_mem>>
        %dma_start3A = arith.constant 0 : i32
        %dma_start3A_15 = tpu.memref_slice %arg6[%scan3A_14, %dma_start3A] : memref<80x128xi32, #tpu.memory_space<vmem>> -> memref<1x128xi32, #tpu.memory_space<vmem>>
        %dma_start3A_16 = tpu.memref_squeeze %dma_start3A_15 : memref<1x128xi32, #tpu.memory_space<vmem>> -> memref<128xi32, #tpu.memory_space<vmem>>
        %dma_start3A_17 = arith.constant 0 : i32
        %dma_start3A_18 = tpu.memref_slice %arg8[%dma_start3A_17] : memref<10008xf32, #tpu.memory_space<vmem_shared>> -> memref<10008xf32, #tpu.memory_space<vmem_shared>>
        tpu.enqueue_indirect_dma source(%arg7 : memref<128xf32, #tpu.memory_space<vmem>>) target(%dma_start3A_18 : memref<10008xf32, #tpu.memory_space<vmem_shared>>) offsets(%dma_start3A_16 : memref<128xi32, #tpu.memory_space<vmem>>) semaphore(%run_scoped3A : memref<!tpu.dma_semaphore, #tpu.memory_space<semaphore_mem>>) {add = true}
        %dma_wait3A = arith.constant 0 : i32
        %dma_wait3A_19 = tpu.memref_slice %arg6[%scan3A_14, %dma_wait3A] : memref<80x128xi32, #tpu.memory_space<vmem>> -> memref<1x128xi32, #tpu.memory_space<vmem>>
        %dma_wait3A_20 = tpu.memref_squeeze %dma_wait3A_19 : memref<1x128xi32, #tpu.memory_space<vmem>> -> memref<128xi32, #tpu.memory_space<vmem>>
        %dma_wait3A_21 = arith.constant 0 : i32
        %dma_wait3A_22 = tpu.memref_slice %arg8[%dma_wait3A_21] : memref<10008xf32, #tpu.memory_space<vmem_shared>> -> memref<10008xf32, #tpu.memory_space<vmem_shared>>
        tpu.wait_indirect_dma semaphore(%run_scoped3A : memref<!tpu.dma_semaphore, #tpu.memory_space<semaphore_mem>>) src(%arg7 : memref<128xf32, #tpu.memory_space<vmem>>) dst(%dma_wait3A_22 : memref<10008xf32, #tpu.memory_space<vmem_shared>>)
        tpu.yield
      }) : () -> ()
    }
    %scan3A_7 = arith.constant 80 : i32
    %barrier3A_8 = arith.constant 0 : index
    tpu.barrier barrier_id(%barrier3A_8)
    %eq3A_9 = arith.constant 0 : i32
    %eq3A_10 = arith.cmpi eq, %arg1, %eq3A_9 : i32
    %convert_element_type3A_11 = arith.extui %eq3A_10 : i1 to i32
    %cond3A_12 = arith.constant 0 : i32
    %cond3A_13 = arith.cmpi ne, %convert_element_type3A_11, %cond3A_12 : i32
    scf.if %cond3A_13 {
      "tpu.region"() ({
        %run_scoped3A = tpu.sem_alloc : memref<!tpu.dma_semaphore, #tpu.memory_space<semaphore_mem>>
        %dma_start3A = arith.constant 0 : i32
        %dma_start3A_14 = tpu.memref_slice %arg5[%arg0, %dma_start3A] : memref<2x10008xf32, #tpu.memory_space<hbm>> -> memref<1x10008xf32, #tpu.memory_space<hbm>>
        %dma_start3A_15 = tpu.memref_squeeze %dma_start3A_14 : memref<1x10008xf32, #tpu.memory_space<hbm>> -> memref<10008xf32, #tpu.memory_space<hbm>>
        tpu.enqueue_dma source(%arg8 : memref<10008xf32, #tpu.memory_space<vmem_shared>>) target(%dma_start3A_15 : memref<10008xf32, #tpu.memory_space<hbm>>) target_semaphore(%run_scoped3A : memref<!tpu.dma_semaphore, #tpu.memory_space<semaphore_mem>>)
        %dma_wait3A = arith.constant 0 : i32
        %dma_wait3A_16 = tpu.memref_slice %arg5[%arg0, %dma_wait3A] : memref<2x10008xf32, #tpu.memory_space<hbm>> -> memref<1x10008xf32, #tpu.memory_space<hbm>>
        %dma_wait3A_17 = tpu.memref_squeeze %dma_wait3A_16 : memref<1x10008xf32, #tpu.memory_space<hbm>> -> memref<10008xf32, #tpu.memory_space<hbm>>
        tpu.wait_dma2 semaphore(%run_scoped3A : memref<!tpu.dma_semaphore, #tpu.memory_space<semaphore_mem>>) src(%arg8 : memref<10008xf32, #tpu.memory_space<vmem_shared>>) dst(%dma_wait3A_17 : memref<10008xf32, #tpu.memory_space<hbm>>)
        tpu.yield
      }) : () -> ()
    } else {
    }
    return
  }
}

#map = affine_map<(d0, d1) -> (0, 0, 0)>
#map1 = affine_map<(d0, d1) -> (0, 0)>
#map2 = affine_map<(d0, d1) -> (0, 0, 0, 0)>
module attributes {stable_mosaic.version = 14 : i64} {
  func.func @sc_edge_aggregate(%arg0: i32, %arg1: i32, %arg2: memref<16x160x128xi32, #tpu.memory_space<hbm>>, %arg3: memref<16x160x128xi32, #tpu.memory_space<hbm>>, %arg4: memref<2x10000x64xbf16, #tpu.memory_space<hbm>>, %arg5: memref<128x64xbf16, #tpu.memory_space<hbm>>, %arg6: memref<2x2x10008x64xbf16, #tpu.memory_space<hbm>>, %arg7: memref<160x128xi32, #tpu.memory_space<vmem>>, %arg8: memref<160x128xi32, #tpu.memory_space<vmem>>, %arg9: memref<128x64xbf16, #tpu.memory_space<vmem>>, %arg10: memref<128x64xbf16, #tpu.memory_space<vmem>>, %arg11: memref<128x64xbf16, #tpu.memory_space<vmem>>, %arg12: memref<128x64xbf16, #tpu.memory_space<vmem>>, %arg13: memref<!tpu.dma_semaphore, #tpu.memory_space<semaphore_mem>>, %arg14: memref<!tpu.dma_semaphore, #tpu.memory_space<semaphore_mem>>, %arg15: memref<!tpu.dma_semaphore, #tpu.memory_space<semaphore_mem>>, %arg16: memref<!tpu.dma_semaphore, #tpu.memory_space<semaphore_mem>>, %arg17: memref<!tpu.dma_semaphore, #tpu.memory_space<semaphore_mem>>, %arg18: memref<!tpu.dma_semaphore, #tpu.memory_space<semaphore_mem>>, %arg19: memref<!tpu.dma_semaphore, #tpu.memory_space<semaphore_mem>>, %arg20: memref<!tpu.dma_semaphore, #tpu.memory_space<semaphore_mem>>, %arg21: memref<10008x64xbf16, #tpu.memory_space<vmem_shared>>, %arg22: memref<10008x64xbf16, #tpu.memory_space<vmem_shared>>) attributes {dimension_semantics = [#tpu.dimension_semantics<core_parallel>, #tpu.dimension_semantics<subcore_parallel>], iteration_bounds = array<i64: 2, 16>, scalar_prefetch = 0 : i64, scratch_operands = 16 : i64, tpu.core_type = #tpu.core_type<sc_vector_subcore>, window_params = [{transform_indices = #map}, {transform_indices = #map}, {transform_indices = #map}, {transform_indices = #map1}, {transform_indices = #map2}]} {
    "tpu.region"() ({
      %run_scoped3A_94 = tpu.sem_alloc : memref<!tpu.dma_semaphore, #tpu.memory_space<semaphore_mem>>
      %dma_start3A_95 = arith.constant 0 : i32
      %dma_start3A_96 = arith.constant 0 : i32
      %dma_start3A_97 = tpu.memref_slice %arg2[%arg1, %dma_start3A_95, %dma_start3A_96] : memref<16x160x128xi32, #tpu.memory_space<hbm>> -> memref<1x160x128xi32, #tpu.memory_space<hbm>>
      %dma_start3A_98 = tpu.memref_squeeze %dma_start3A_97 : memref<1x160x128xi32, #tpu.memory_space<hbm>> -> memref<160x128xi32, #tpu.memory_space<hbm>>
      %dma_start3A_99 = arith.constant 0 : i32
      %dma_start3A_100 = arith.constant 0 : i32
      %dma_start3A_101 = tpu.memref_slice %arg2[%arg1, %dma_start3A_99, %dma_start3A_100] : memref<16x160x128xi32, #tpu.memory_space<hbm>> -> memref<1x160x128xi32, #tpu.memory_space<hbm>>
      %dma_start3A_102 = tpu.memref_squeeze %dma_start3A_101 : memref<1x160x128xi32, #tpu.memory_space<hbm>> -> memref<160x128xi32, #tpu.memory_space<hbm>>
      tpu.enqueue_dma source(%dma_start3A_102 : memref<160x128xi32, #tpu.memory_space<hbm>>) target(%arg7 : memref<160x128xi32, #tpu.memory_space<vmem>>) target_semaphore(%run_scoped3A_94 : memref<!tpu.dma_semaphore, #tpu.memory_space<semaphore_mem>>)
      %dma_wait3A_103 = arith.constant 0 : i32
      %dma_wait3A_104 = arith.constant 0 : i32
      %dma_wait3A_105 = tpu.memref_slice %arg2[%arg1, %dma_wait3A_103, %dma_wait3A_104] : memref<16x160x128xi32, #tpu.memory_space<hbm>> -> memref<1x160x128xi32, #tpu.memory_space<hbm>>
      %dma_wait3A_106 = tpu.memref_squeeze %dma_wait3A_105 : memref<1x160x128xi32, #tpu.memory_space<hbm>> -> memref<160x128xi32, #tpu.memory_space<hbm>>
      %dma_wait3A_107 = arith.constant 0 : i32
      %dma_wait3A_108 = arith.constant 0 : i32
      %dma_wait3A_109 = tpu.memref_slice %arg2[%arg1, %dma_wait3A_107, %dma_wait3A_108] : memref<16x160x128xi32, #tpu.memory_space<hbm>> -> memref<1x160x128xi32, #tpu.memory_space<hbm>>
      %dma_wait3A_110 = tpu.memref_squeeze %dma_wait3A_109 : memref<1x160x128xi32, #tpu.memory_space<hbm>> -> memref<160x128xi32, #tpu.memory_space<hbm>>
      tpu.wait_dma2 semaphore(%run_scoped3A_94 : memref<!tpu.dma_semaphore, #tpu.memory_space<semaphore_mem>>) src(%dma_wait3A_110 : memref<160x128xi32, #tpu.memory_space<hbm>>) dst(%arg7 : memref<160x128xi32, #tpu.memory_space<vmem>>)
      tpu.yield
    }) : () -> ()
    "tpu.region"() ({
      %run_scoped3A_94 = tpu.sem_alloc : memref<!tpu.dma_semaphore, #tpu.memory_space<semaphore_mem>>
      %dma_start3A_95 = arith.constant 0 : i32
      %dma_start3A_96 = arith.constant 0 : i32
      %dma_start3A_97 = tpu.memref_slice %arg3[%arg1, %dma_start3A_95, %dma_start3A_96] : memref<16x160x128xi32, #tpu.memory_space<hbm>> -> memref<1x160x128xi32, #tpu.memory_space<hbm>>
      %dma_start3A_98 = tpu.memref_squeeze %dma_start3A_97 : memref<1x160x128xi32, #tpu.memory_space<hbm>> -> memref<160x128xi32, #tpu.memory_space<hbm>>
      %dma_start3A_99 = arith.constant 0 : i32
      %dma_start3A_100 = arith.constant 0 : i32
      %dma_start3A_101 = tpu.memref_slice %arg3[%arg1, %dma_start3A_99, %dma_start3A_100] : memref<16x160x128xi32, #tpu.memory_space<hbm>> -> memref<1x160x128xi32, #tpu.memory_space<hbm>>
      %dma_start3A_102 = tpu.memref_squeeze %dma_start3A_101 : memref<1x160x128xi32, #tpu.memory_space<hbm>> -> memref<160x128xi32, #tpu.memory_space<hbm>>
      tpu.enqueue_dma source(%dma_start3A_102 : memref<160x128xi32, #tpu.memory_space<hbm>>) target(%arg8 : memref<160x128xi32, #tpu.memory_space<vmem>>) target_semaphore(%run_scoped3A_94 : memref<!tpu.dma_semaphore, #tpu.memory_space<semaphore_mem>>)
      %dma_wait3A_103 = arith.constant 0 : i32
      %dma_wait3A_104 = arith.constant 0 : i32
      %dma_wait3A_105 = tpu.memref_slice %arg3[%arg1, %dma_wait3A_103, %dma_wait3A_104] : memref<16x160x128xi32, #tpu.memory_space<hbm>> -> memref<1x160x128xi32, #tpu.memory_space<hbm>>
      %dma_wait3A_106 = tpu.memref_squeeze %dma_wait3A_105 : memref<1x160x128xi32, #tpu.memory_space<hbm>> -> memref<160x128xi32, #tpu.memory_space<hbm>>
      %dma_wait3A_107 = arith.constant 0 : i32
      %dma_wait3A_108 = arith.constant 0 : i32
      %dma_wait3A_109 = tpu.memref_slice %arg3[%arg1, %dma_wait3A_107, %dma_wait3A_108] : memref<16x160x128xi32, #tpu.memory_space<hbm>> -> memref<1x160x128xi32, #tpu.memory_space<hbm>>
      %dma_wait3A_110 = tpu.memref_squeeze %dma_wait3A_109 : memref<1x160x128xi32, #tpu.memory_space<hbm>> -> memref<160x128xi32, #tpu.memory_space<hbm>>
      tpu.wait_dma2 semaphore(%run_scoped3A_94 : memref<!tpu.dma_semaphore, #tpu.memory_space<semaphore_mem>>) src(%dma_wait3A_110 : memref<160x128xi32, #tpu.memory_space<hbm>>) dst(%arg8 : memref<160x128xi32, #tpu.memory_space<vmem>>)
      tpu.yield
    }) : () -> ()
    %mul3A = arith.constant 624 : i32
    %mul3A_0 = arith.muli %arg1, %mul3A : i32
    "tpu.region"() ({
      %run_scoped3A_94 = tpu.sem_alloc : memref<!tpu.dma_semaphore, #tpu.memory_space<semaphore_mem>>
      %dma_start3A_95 = arith.constant 0 : i32
      %dma_start3A_96 = tpu.memref_slice %arg21[%mul3A_0, %dma_start3A_95] : memref<10008x64xbf16, #tpu.memory_space<vmem_shared>> -> memref<624x64xbf16, #tpu.memory_space<vmem_shared>>
      %dma_start3A_97 = arith.constant 0 : i32
      %dma_start3A_98 = arith.constant 0 : i32
      %dma_start3A_99 = tpu.memref_slice %arg4[%arg0, %dma_start3A_97, %dma_start3A_98] : memref<2x10000x64xbf16, #tpu.memory_space<hbm>> -> memref<1x10000x64xbf16, #tpu.memory_space<hbm>>
      %dma_start3A_100 = tpu.memref_squeeze %dma_start3A_99 : memref<1x10000x64xbf16, #tpu.memory_space<hbm>> -> memref<10000x64xbf16, #tpu.memory_space<hbm>>
      %dma_start3A_101 = arith.constant 0 : i32
      %dma_start3A_102 = tpu.memref_slice %dma_start3A_100[%mul3A_0, %dma_start3A_101] : memref<10000x64xbf16, #tpu.memory_space<hbm>> -> memref<624x64xbf16, #tpu.memory_space<hbm>>
      tpu.enqueue_dma source(%dma_start3A_102 : memref<624x64xbf16, #tpu.memory_space<hbm>>) target(%dma_start3A_96 : memref<624x64xbf16, #tpu.memory_space<vmem_shared>>) target_semaphore(%run_scoped3A_94 : memref<!tpu.dma_semaphore, #tpu.memory_space<semaphore_mem>>)
      %dma_wait3A_103 = arith.constant 0 : i32
      %dma_wait3A_104 = tpu.memref_slice %arg21[%mul3A_0, %dma_wait3A_103] : memref<10008x64xbf16, #tpu.memory_space<vmem_shared>> -> memref<624x64xbf16, #tpu.memory_space<vmem_shared>>
      %dma_wait3A_105 = arith.constant 0 : i32
      %dma_wait3A_106 = arith.constant 0 : i32
      %dma_wait3A_107 = tpu.memref_slice %arg4[%arg0, %dma_wait3A_105, %dma_wait3A_106] : memref<2x10000x64xbf16, #tpu.memory_space<hbm>> -> memref<1x10000x64xbf16, #tpu.memory_space<hbm>>
      %dma_wait3A_108 = tpu.memref_squeeze %dma_wait3A_107 : memref<1x10000x64xbf16, #tpu.memory_space<hbm>> -> memref<10000x64xbf16, #tpu.memory_space<hbm>>
      %dma_wait3A_109 = arith.constant 0 : i32
      %dma_wait3A_110 = tpu.memref_slice %dma_wait3A_108[%mul3A_0, %dma_wait3A_109] : memref<10000x64xbf16, #tpu.memory_space<hbm>> -> memref<624x64xbf16, #tpu.memory_space<hbm>>
      tpu.wait_dma2 semaphore(%run_scoped3A_94 : memref<!tpu.dma_semaphore, #tpu.memory_space<semaphore_mem>>) src(%dma_wait3A_110 : memref<624x64xbf16, #tpu.memory_space<hbm>>) dst(%dma_wait3A_104 : memref<624x64xbf16, #tpu.memory_space<vmem_shared>>)
      tpu.yield
    }) : () -> ()
    %add3A = arith.constant 0 : i32
    %add3A_1 = arith.addi %mul3A_0, %add3A : i32
    "tpu.region"() ({
      %run_scoped3A_94 = tpu.sem_alloc : memref<!tpu.dma_semaphore, #tpu.memory_space<semaphore_mem>>
      %dma_start3A_95 = arith.constant 0 : i32
      %dma_start3A_96 = tpu.memref_slice %arg22[%add3A_1, %dma_start3A_95] : memref<10008x64xbf16, #tpu.memory_space<vmem_shared>> -> memref<128x64xbf16, #tpu.memory_space<vmem_shared>>
      %dma_start3A_97 = arith.constant 0 : i32
      %dma_start3A_98 = arith.constant 0 : i32
      %dma_start3A_99 = tpu.memref_slice %arg5[%dma_start3A_97, %dma_start3A_98] : memref<128x64xbf16, #tpu.memory_space<hbm>> -> memref<128x64xbf16, #tpu.memory_space<hbm>>
      tpu.enqueue_dma source(%dma_start3A_99 : memref<128x64xbf16, #tpu.memory_space<hbm>>) target(%dma_start3A_96 : memref<128x64xbf16, #tpu.memory_space<vmem_shared>>) target_semaphore(%run_scoped3A_94 : memref<!tpu.dma_semaphore, #tpu.memory_space<semaphore_mem>>)
      %dma_wait3A_100 = arith.constant 0 : i32
      %dma_wait3A_101 = tpu.memref_slice %arg22[%add3A_1, %dma_wait3A_100] : memref<10008x64xbf16, #tpu.memory_space<vmem_shared>> -> memref<128x64xbf16, #tpu.memory_space<vmem_shared>>
      %dma_wait3A_102 = arith.constant 0 : i32
      %dma_wait3A_103 = arith.constant 0 : i32
      %dma_wait3A_104 = tpu.memref_slice %arg5[%dma_wait3A_102, %dma_wait3A_103] : memref<128x64xbf16, #tpu.memory_space<hbm>> -> memref<128x64xbf16, #tpu.memory_space<hbm>>
      tpu.wait_dma2 semaphore(%run_scoped3A_94 : memref<!tpu.dma_semaphore, #tpu.memory_space<semaphore_mem>>) src(%dma_wait3A_104 : memref<128x64xbf16, #tpu.memory_space<hbm>>) dst(%dma_wait3A_101 : memref<128x64xbf16, #tpu.memory_space<vmem_shared>>)
      tpu.yield
    }) : () -> ()
    %add3A_2 = arith.constant 128 : i32
    %add3A_3 = arith.addi %mul3A_0, %add3A_2 : i32
    "tpu.region"() ({
      %run_scoped3A_94 = tpu.sem_alloc : memref<!tpu.dma_semaphore, #tpu.memory_space<semaphore_mem>>
      %dma_start3A_95 = arith.constant 0 : i32
      %dma_start3A_96 = tpu.memref_slice %arg22[%add3A_3, %dma_start3A_95] : memref<10008x64xbf16, #tpu.memory_space<vmem_shared>> -> memref<128x64xbf16, #tpu.memory_space<vmem_shared>>
      %dma_start3A_97 = arith.constant 0 : i32
      %dma_start3A_98 = arith.constant 0 : i32
      %dma_start3A_99 = tpu.memref_slice %arg5[%dma_start3A_97, %dma_start3A_98] : memref<128x64xbf16, #tpu.memory_space<hbm>> -> memref<128x64xbf16, #tpu.memory_space<hbm>>
      tpu.enqueue_dma source(%dma_start3A_99 : memref<128x64xbf16, #tpu.memory_space<hbm>>) target(%dma_start3A_96 : memref<128x64xbf16, #tpu.memory_space<vmem_shared>>) target_semaphore(%run_scoped3A_94 : memref<!tpu.dma_semaphore, #tpu.memory_space<semaphore_mem>>)
      %dma_wait3A_100 = arith.constant 0 : i32
      %dma_wait3A_101 = tpu.memref_slice %arg22[%add3A_3, %dma_wait3A_100] : memref<10008x64xbf16, #tpu.memory_space<vmem_shared>> -> memref<128x64xbf16, #tpu.memory_space<vmem_shared>>
      %dma_wait3A_102 = arith.constant 0 : i32
      %dma_wait3A_103 = arith.constant 0 : i32
      %dma_wait3A_104 = tpu.memref_slice %arg5[%dma_wait3A_102, %dma_wait3A_103] : memref<128x64xbf16, #tpu.memory_space<hbm>> -> memref<128x64xbf16, #tpu.memory_space<hbm>>
      tpu.wait_dma2 semaphore(%run_scoped3A_94 : memref<!tpu.dma_semaphore, #tpu.memory_space<semaphore_mem>>) src(%dma_wait3A_104 : memref<128x64xbf16, #tpu.memory_space<hbm>>) dst(%dma_wait3A_101 : memref<128x64xbf16, #tpu.memory_space<vmem_shared>>)
      tpu.yield
    }) : () -> ()
    %add3A_4 = arith.constant 256 : i32
    %add3A_5 = arith.addi %mul3A_0, %add3A_4 : i32
    "tpu.region"() ({
      %run_scoped3A_94 = tpu.sem_alloc : memref<!tpu.dma_semaphore, #tpu.memory_space<semaphore_mem>>
      %dma_start3A_95 = arith.constant 0 : i32
      %dma_start3A_96 = tpu.memref_slice %arg22[%add3A_5, %dma_start3A_95] : memref<10008x64xbf16, #tpu.memory_space<vmem_shared>> -> memref<128x64xbf16, #tpu.memory_space<vmem_shared>>
      %dma_start3A_97 = arith.constant 0 : i32
      %dma_start3A_98 = arith.constant 0 : i32
      %dma_start3A_99 = tpu.memref_slice %arg5[%dma_start3A_97, %dma_start3A_98] : memref<128x64xbf16, #tpu.memory_space<hbm>> -> memref<128x64xbf16, #tpu.memory_space<hbm>>
      tpu.enqueue_dma source(%dma_start3A_99 : memref<128x64xbf16, #tpu.memory_space<hbm>>) target(%dma_start3A_96 : memref<128x64xbf16, #tpu.memory_space<vmem_shared>>) target_semaphore(%run_scoped3A_94 : memref<!tpu.dma_semaphore, #tpu.memory_space<semaphore_mem>>)
      %dma_wait3A_100 = arith.constant 0 : i32
      %dma_wait3A_101 = tpu.memref_slice %arg22[%add3A_5, %dma_wait3A_100] : memref<10008x64xbf16, #tpu.memory_space<vmem_shared>> -> memref<128x64xbf16, #tpu.memory_space<vmem_shared>>
      %dma_wait3A_102 = arith.constant 0 : i32
      %dma_wait3A_103 = arith.constant 0 : i32
      %dma_wait3A_104 = tpu.memref_slice %arg5[%dma_wait3A_102, %dma_wait3A_103] : memref<128x64xbf16, #tpu.memory_space<hbm>> -> memref<128x64xbf16, #tpu.memory_space<hbm>>
      tpu.wait_dma2 semaphore(%run_scoped3A_94 : memref<!tpu.dma_semaphore, #tpu.memory_space<semaphore_mem>>) src(%dma_wait3A_104 : memref<128x64xbf16, #tpu.memory_space<hbm>>) dst(%dma_wait3A_101 : memref<128x64xbf16, #tpu.memory_space<vmem_shared>>)
      tpu.yield
    }) : () -> ()
    %add3A_6 = arith.constant 384 : i32
    %add3A_7 = arith.addi %mul3A_0, %add3A_6 : i32
    "tpu.region"() ({
      %run_scoped3A_94 = tpu.sem_alloc : memref<!tpu.dma_semaphore, #tpu.memory_space<semaphore_mem>>
      %dma_start3A_95 = arith.constant 0 : i32
      %dma_start3A_96 = tpu.memref_slice %arg22[%add3A_7, %dma_start3A_95] : memref<10008x64xbf16, #tpu.memory_space<vmem_shared>> -> memref<128x64xbf16, #tpu.memory_space<vmem_shared>>
      %dma_start3A_97 = arith.constant 0 : i32
      %dma_start3A_98 = arith.constant 0 : i32
      %dma_start3A_99 = tpu.memref_slice %arg5[%dma_start3A_97, %dma_start3A_98] : memref<128x64xbf16, #tpu.memory_space<hbm>> -> memref<128x64xbf16, #tpu.memory_space<hbm>>
      tpu.enqueue_dma source(%dma_start3A_99 : memref<128x64xbf16, #tpu.memory_space<hbm>>) target(%dma_start3A_96 : memref<128x64xbf16, #tpu.memory_space<vmem_shared>>) target_semaphore(%run_scoped3A_94 : memref<!tpu.dma_semaphore, #tpu.memory_space<semaphore_mem>>)
      %dma_wait3A_100 = arith.constant 0 : i32
      %dma_wait3A_101 = tpu.memref_slice %arg22[%add3A_7, %dma_wait3A_100] : memref<10008x64xbf16, #tpu.memory_space<vmem_shared>> -> memref<128x64xbf16, #tpu.memory_space<vmem_shared>>
      %dma_wait3A_102 = arith.constant 0 : i32
      %dma_wait3A_103 = arith.constant 0 : i32
      %dma_wait3A_104 = tpu.memref_slice %arg5[%dma_wait3A_102, %dma_wait3A_103] : memref<128x64xbf16, #tpu.memory_space<hbm>> -> memref<128x64xbf16, #tpu.memory_space<hbm>>
      tpu.wait_dma2 semaphore(%run_scoped3A_94 : memref<!tpu.dma_semaphore, #tpu.memory_space<semaphore_mem>>) src(%dma_wait3A_104 : memref<128x64xbf16, #tpu.memory_space<hbm>>) dst(%dma_wait3A_101 : memref<128x64xbf16, #tpu.memory_space<vmem_shared>>)
      tpu.yield
    }) : () -> ()
    %add3A_8 = arith.constant 512 : i32
    %add3A_9 = arith.addi %mul3A_0, %add3A_8 : i32
    "tpu.region"() ({
      %run_scoped3A_94 = tpu.sem_alloc : memref<!tpu.dma_semaphore, #tpu.memory_space<semaphore_mem>>
      %dma_start3A_95 = arith.constant 0 : i32
      %dma_start3A_96 = tpu.memref_slice %arg22[%add3A_9, %dma_start3A_95] : memref<10008x64xbf16, #tpu.memory_space<vmem_shared>> -> memref<112x64xbf16, #tpu.memory_space<vmem_shared>>
      %dma_start3A_97 = arith.constant 0 : i32
      %dma_start3A_98 = arith.constant 0 : i32
      %dma_start3A_99 = tpu.memref_slice %arg5[%dma_start3A_97, %dma_start3A_98] : memref<128x64xbf16, #tpu.memory_space<hbm>> -> memref<112x64xbf16, #tpu.memory_space<hbm>>
      tpu.enqueue_dma source(%dma_start3A_99 : memref<112x64xbf16, #tpu.memory_space<hbm>>) target(%dma_start3A_96 : memref<112x64xbf16, #tpu.memory_space<vmem_shared>>) target_semaphore(%run_scoped3A_94 : memref<!tpu.dma_semaphore, #tpu.memory_space<semaphore_mem>>)
      %dma_wait3A_100 = arith.constant 0 : i32
      %dma_wait3A_101 = tpu.memref_slice %arg22[%add3A_9, %dma_wait3A_100] : memref<10008x64xbf16, #tpu.memory_space<vmem_shared>> -> memref<112x64xbf16, #tpu.memory_space<vmem_shared>>
      %dma_wait3A_102 = arith.constant 0 : i32
      %dma_wait3A_103 = arith.constant 0 : i32
      %dma_wait3A_104 = tpu.memref_slice %arg5[%dma_wait3A_102, %dma_wait3A_103] : memref<128x64xbf16, #tpu.memory_space<hbm>> -> memref<112x64xbf16, #tpu.memory_space<hbm>>
      tpu.wait_dma2 semaphore(%run_scoped3A_94 : memref<!tpu.dma_semaphore, #tpu.memory_space<semaphore_mem>>) src(%dma_wait3A_104 : memref<112x64xbf16, #tpu.memory_space<hbm>>) dst(%dma_wait3A_101 : memref<112x64xbf16, #tpu.memory_space<vmem_shared>>)
      tpu.yield
    }) : () -> ()
    %eq3A = arith.constant 0 : i32
    %eq3A_10 = arith.cmpi eq, %arg1, %eq3A : i32
    %convert_element_type3A = arith.extui %eq3A_10 : i1 to i32
    %cond3A = arith.constant 0 : i32
    %cond3A_11 = arith.cmpi ne, %convert_element_type3A, %cond3A : i32
    scf.if %cond3A_11 {
      "tpu.region"() ({
        %run_scoped3A_94 = tpu.sem_alloc : memref<!tpu.dma_semaphore, #tpu.memory_space<semaphore_mem>>
        %dma_start3A_95 = arith.constant 9984 : i32
        %dma_start3A_96 = arith.constant 0 : i32
        %dma_start3A_97 = tpu.memref_slice %arg21[%dma_start3A_95, %dma_start3A_96] : memref<10008x64xbf16, #tpu.memory_space<vmem_shared>> -> memref<16x64xbf16, #tpu.memory_space<vmem_shared>>
        %dma_start3A_98 = arith.constant 0 : i32
        %dma_start3A_99 = arith.constant 0 : i32
        %dma_start3A_100 = tpu.memref_slice %arg4[%arg0, %dma_start3A_98, %dma_start3A_99] : memref<2x10000x64xbf16, #tpu.memory_space<hbm>> -> memref<1x10000x64xbf16, #tpu.memory_space<hbm>>
        %dma_start3A_101 = tpu.memref_squeeze %dma_start3A_100 : memref<1x10000x64xbf16, #tpu.memory_space<hbm>> -> memref<10000x64xbf16, #tpu.memory_space<hbm>>
        %dma_start3A_102 = arith.constant 9984 : i32
        %dma_start3A_103 = arith.constant 0 : i32
        %dma_start3A_104 = tpu.memref_slice %dma_start3A_101[%dma_start3A_102, %dma_start3A_103] : memref<10000x64xbf16, #tpu.memory_space<hbm>> -> memref<16x64xbf16, #tpu.memory_space<hbm>>
        tpu.enqueue_dma source(%dma_start3A_104 : memref<16x64xbf16, #tpu.memory_space<hbm>>) target(%dma_start3A_97 : memref<16x64xbf16, #tpu.memory_space<vmem_shared>>) target_semaphore(%run_scoped3A_94 : memref<!tpu.dma_semaphore, #tpu.memory_space<semaphore_mem>>)
        %dma_wait3A_105 = arith.constant 9984 : i32
        %dma_wait3A_106 = arith.constant 0 : i32
        %dma_wait3A_107 = tpu.memref_slice %arg21[%dma_wait3A_105, %dma_wait3A_106] : memref<10008x64xbf16, #tpu.memory_space<vmem_shared>> -> memref<16x64xbf16, #tpu.memory_space<vmem_shared>>
        %dma_wait3A_108 = arith.constant 0 : i32
        %dma_wait3A_109 = arith.constant 0 : i32
        %dma_wait3A_110 = tpu.memref_slice %arg4[%arg0, %dma_wait3A_108, %dma_wait3A_109] : memref<2x10000x64xbf16, #tpu.memory_space<hbm>> -> memref<1x10000x64xbf16, #tpu.memory_space<hbm>>
        %dma_wait3A_111 = tpu.memref_squeeze %dma_wait3A_110 : memref<1x10000x64xbf16, #tpu.memory_space<hbm>> -> memref<10000x64xbf16, #tpu.memory_space<hbm>>
        %dma_wait3A_112 = arith.constant 9984 : i32
        %dma_wait3A_113 = arith.constant 0 : i32
        %dma_wait3A_114 = tpu.memref_slice %dma_wait3A_111[%dma_wait3A_112, %dma_wait3A_113] : memref<10000x64xbf16, #tpu.memory_space<hbm>> -> memref<16x64xbf16, #tpu.memory_space<hbm>>
        tpu.wait_dma2 semaphore(%run_scoped3A_94 : memref<!tpu.dma_semaphore, #tpu.memory_space<semaphore_mem>>) src(%dma_wait3A_114 : memref<16x64xbf16, #tpu.memory_space<hbm>>) dst(%dma_wait3A_107 : memref<16x64xbf16, #tpu.memory_space<vmem_shared>>)
        tpu.yield
      }) : () -> ()
      "tpu.region"() ({
        %run_scoped3A_94 = tpu.sem_alloc : memref<!tpu.dma_semaphore, #tpu.memory_space<semaphore_mem>>
        %dma_start3A_95 = arith.constant 10000 : i32
        %dma_start3A_96 = arith.constant 0 : i32
        %dma_start3A_97 = tpu.memref_slice %arg21[%dma_start3A_95, %dma_start3A_96] : memref<10008x64xbf16, #tpu.memory_space<vmem_shared>> -> memref<8x64xbf16, #tpu.memory_space<vmem_shared>>
        %dma_start3A_98 = arith.constant 0 : i32
        %dma_start3A_99 = arith.constant 0 : i32
        %dma_start3A_100 = tpu.memref_slice %arg5[%dma_start3A_98, %dma_start3A_99] : memref<128x64xbf16, #tpu.memory_space<hbm>> -> memref<8x64xbf16, #tpu.memory_space<hbm>>
        tpu.enqueue_dma source(%dma_start3A_100 : memref<8x64xbf16, #tpu.memory_space<hbm>>) target(%dma_start3A_97 : memref<8x64xbf16, #tpu.memory_space<vmem_shared>>) target_semaphore(%run_scoped3A_94 : memref<!tpu.dma_semaphore, #tpu.memory_space<semaphore_mem>>)
        %dma_wait3A_101 = arith.constant 10000 : i32
        %dma_wait3A_102 = arith.constant 0 : i32
        %dma_wait3A_103 = tpu.memref_slice %arg21[%dma_wait3A_101, %dma_wait3A_102] : memref<10008x64xbf16, #tpu.memory_space<vmem_shared>> -> memref<8x64xbf16, #tpu.memory_space<vmem_shared>>
        %dma_wait3A_104 = arith.constant 0 : i32
        %dma_wait3A_105 = arith.constant 0 : i32
        %dma_wait3A_106 = tpu.memref_slice %arg5[%dma_wait3A_104, %dma_wait3A_105] : memref<128x64xbf16, #tpu.memory_space<hbm>> -> memref<8x64xbf16, #tpu.memory_space<hbm>>
        tpu.wait_dma2 semaphore(%run_scoped3A_94 : memref<!tpu.dma_semaphore, #tpu.memory_space<semaphore_mem>>) src(%dma_wait3A_106 : memref<8x64xbf16, #tpu.memory_space<hbm>>) dst(%dma_wait3A_103 : memref<8x64xbf16, #tpu.memory_space<vmem_shared>>)
        tpu.yield
      }) : () -> ()
      "tpu.region"() ({
        %run_scoped3A_94 = tpu.sem_alloc : memref<!tpu.dma_semaphore, #tpu.memory_space<semaphore_mem>>
        %dma_start3A_95 = arith.constant 9984 : i32
        %dma_start3A_96 = arith.constant 0 : i32
        %dma_start3A_97 = tpu.memref_slice %arg22[%dma_start3A_95, %dma_start3A_96] : memref<10008x64xbf16, #tpu.memory_space<vmem_shared>> -> memref<24x64xbf16, #tpu.memory_space<vmem_shared>>
        %dma_start3A_98 = arith.constant 0 : i32
        %dma_start3A_99 = arith.constant 0 : i32
        %dma_start3A_100 = tpu.memref_slice %arg5[%dma_start3A_98, %dma_start3A_99] : memref<128x64xbf16, #tpu.memory_space<hbm>> -> memref<24x64xbf16, #tpu.memory_space<hbm>>
        tpu.enqueue_dma source(%dma_start3A_100 : memref<24x64xbf16, #tpu.memory_space<hbm>>) target(%dma_start3A_97 : memref<24x64xbf16, #tpu.memory_space<vmem_shared>>) target_semaphore(%run_scoped3A_94 : memref<!tpu.dma_semaphore, #tpu.memory_space<semaphore_mem>>)
        %dma_wait3A_101 = arith.constant 9984 : i32
        %dma_wait3A_102 = arith.constant 0 : i32
        %dma_wait3A_103 = tpu.memref_slice %arg22[%dma_wait3A_101, %dma_wait3A_102] : memref<10008x64xbf16, #tpu.memory_space<vmem_shared>> -> memref<24x64xbf16, #tpu.memory_space<vmem_shared>>
        %dma_wait3A_104 = arith.constant 0 : i32
        %dma_wait3A_105 = arith.constant 0 : i32
        %dma_wait3A_106 = tpu.memref_slice %arg5[%dma_wait3A_104, %dma_wait3A_105] : memref<128x64xbf16, #tpu.memory_space<hbm>> -> memref<24x64xbf16, #tpu.memory_space<hbm>>
        tpu.wait_dma2 semaphore(%run_scoped3A_94 : memref<!tpu.dma_semaphore, #tpu.memory_space<semaphore_mem>>) src(%dma_wait3A_106 : memref<24x64xbf16, #tpu.memory_space<hbm>>) dst(%dma_wait3A_103 : memref<24x64xbf16, #tpu.memory_space<vmem_shared>>)
        tpu.yield
      }) : () -> ()
    } else {
    }
    %barrier3A = arith.constant 0 : index
    tpu.barrier barrier_id(%barrier3A)
    %dma_start3A = arith.constant 0 : i32
    %dma_start3A_12 = arith.constant 0 : i32
    %dma_start3A_13 = tpu.memref_slice %arg7[%dma_start3A, %dma_start3A_12] : memref<160x128xi32, #tpu.memory_space<vmem>> -> memref<1x128xi32, #tpu.memory_space<vmem>>
    %dma_start3A_14 = tpu.memref_squeeze %dma_start3A_13 : memref<1x128xi32, #tpu.memory_space<vmem>> -> memref<128xi32, #tpu.memory_space<vmem>>
    %dma_start3A_15 = arith.constant 0 : i32
    %dma_start3A_16 = arith.constant 0 : i32
    %dma_start3A_17 = tpu.memref_slice %arg4[%arg0, %dma_start3A_15, %dma_start3A_16] : memref<2x10000x64xbf16, #tpu.memory_space<hbm>> -> memref<1x10000x64xbf16, #tpu.memory_space<hbm>>
    %dma_start3A_18 = tpu.memref_squeeze %dma_start3A_17 : memref<1x10000x64xbf16, #tpu.memory_space<hbm>> -> memref<10000x64xbf16, #tpu.memory_space<hbm>>
    %dma_start3A_19 = arith.constant 0 : i32
    %dma_start3A_20 = arith.constant 0 : i32
    %dma_start3A_21 = tpu.memref_slice %dma_start3A_18[%dma_start3A_19, %dma_start3A_20] : memref<10000x64xbf16, #tpu.memory_space<hbm>> -> memref<10000x64xbf16, #tpu.memory_space<hbm>>
    tpu.enqueue_indirect_dma source(%dma_start3A_21 : memref<10000x64xbf16, #tpu.memory_space<hbm>>) target(%arg9 : memref<128x64xbf16, #tpu.memory_space<vmem>>) offsets(%dma_start3A_14 : memref<128xi32, #tpu.memory_space<vmem>>) semaphore(%arg13 : memref<!tpu.dma_semaphore, #tpu.memory_space<semaphore_mem>>)
    %dma_start3A_22 = arith.constant 1 : i32
    %dma_start3A_23 = arith.constant 0 : i32
    %dma_start3A_24 = tpu.memref_slice %arg7[%dma_start3A_22, %dma_start3A_23] : memref<160x128xi32, #tpu.memory_space<vmem>> -> memref<1x128xi32, #tpu.memory_space<vmem>>
    %dma_start3A_25 = tpu.memref_squeeze %dma_start3A_24 : memref<1x128xi32, #tpu.memory_space<vmem>> -> memref<128xi32, #tpu.memory_space<vmem>>
    %dma_start3A_26 = arith.constant 0 : i32
    %dma_start3A_27 = arith.constant 0 : i32
    %dma_start3A_28 = tpu.memref_slice %arg4[%arg0, %dma_start3A_26, %dma_start3A_27] : memref<2x10000x64xbf16, #tpu.memory_space<hbm>> -> memref<1x10000x64xbf16, #tpu.memory_space<hbm>>
    %dma_start3A_29 = tpu.memref_squeeze %dma_start3A_28 : memref<1x10000x64xbf16, #tpu.memory_space<hbm>> -> memref<10000x64xbf16, #tpu.memory_space<hbm>>
    %dma_start3A_30 = arith.constant 0 : i32
    %dma_start3A_31 = arith.constant 0 : i32
    %dma_start3A_32 = tpu.memref_slice %dma_start3A_29[%dma_start3A_30, %dma_start3A_31] : memref<10000x64xbf16, #tpu.memory_space<hbm>> -> memref<10000x64xbf16, #tpu.memory_space<hbm>>
    tpu.enqueue_indirect_dma source(%dma_start3A_32 : memref<10000x64xbf16, #tpu.memory_space<hbm>>) target(%arg10 : memref<128x64xbf16, #tpu.memory_space<vmem>>) offsets(%dma_start3A_25 : memref<128xi32, #tpu.memory_space<vmem>>) semaphore(%arg14 : memref<!tpu.dma_semaphore, #tpu.memory_space<semaphore_mem>>)
    %dma_start3A_33 = arith.constant 2 : i32
    %dma_start3A_34 = arith.constant 0 : i32
    %dma_start3A_35 = tpu.memref_slice %arg7[%dma_start3A_33, %dma_start3A_34] : memref<160x128xi32, #tpu.memory_space<vmem>> -> memref<1x128xi32, #tpu.memory_space<vmem>>
    %dma_start3A_36 = tpu.memref_squeeze %dma_start3A_35 : memref<1x128xi32, #tpu.memory_space<vmem>> -> memref<128xi32, #tpu.memory_space<vmem>>
    %dma_start3A_37 = arith.constant 0 : i32
    %dma_start3A_38 = arith.constant 0 : i32
    %dma_start3A_39 = tpu.memref_slice %arg4[%arg0, %dma_start3A_37, %dma_start3A_38] : memref<2x10000x64xbf16, #tpu.memory_space<hbm>> -> memref<1x10000x64xbf16, #tpu.memory_space<hbm>>
    %dma_start3A_40 = tpu.memref_squeeze %dma_start3A_39 : memref<1x10000x64xbf16, #tpu.memory_space<hbm>> -> memref<10000x64xbf16, #tpu.memory_space<hbm>>
    %dma_start3A_41 = arith.constant 0 : i32
    %dma_start3A_42 = arith.constant 0 : i32
    %dma_start3A_43 = tpu.memref_slice %dma_start3A_40[%dma_start3A_41, %dma_start3A_42] : memref<10000x64xbf16, #tpu.memory_space<hbm>> -> memref<10000x64xbf16, #tpu.memory_space<hbm>>
    tpu.enqueue_indirect_dma source(%dma_start3A_43 : memref<10000x64xbf16, #tpu.memory_space<hbm>>) target(%arg11 : memref<128x64xbf16, #tpu.memory_space<vmem>>) offsets(%dma_start3A_36 : memref<128xi32, #tpu.memory_space<vmem>>) semaphore(%arg15 : memref<!tpu.dma_semaphore, #tpu.memory_space<semaphore_mem>>)
    %dma_start3A_44 = arith.constant 3 : i32
    %dma_start3A_45 = arith.constant 0 : i32
    %dma_start3A_46 = tpu.memref_slice %arg7[%dma_start3A_44, %dma_start3A_45] : memref<160x128xi32, #tpu.memory_space<vmem>> -> memref<1x128xi32, #tpu.memory_space<vmem>>
    %dma_start3A_47 = tpu.memref_squeeze %dma_start3A_46 : memref<1x128xi32, #tpu.memory_space<vmem>> -> memref<128xi32, #tpu.memory_space<vmem>>
    %dma_start3A_48 = arith.constant 0 : i32
    %dma_start3A_49 = arith.constant 0 : i32
    %dma_start3A_50 = tpu.memref_slice %arg4[%arg0, %dma_start3A_48, %dma_start3A_49] : memref<2x10000x64xbf16, #tpu.memory_space<hbm>> -> memref<1x10000x64xbf16, #tpu.memory_space<hbm>>
    %dma_start3A_51 = tpu.memref_squeeze %dma_start3A_50 : memref<1x10000x64xbf16, #tpu.memory_space<hbm>> -> memref<10000x64xbf16, #tpu.memory_space<hbm>>
    %dma_start3A_52 = arith.constant 0 : i32
    %dma_start3A_53 = arith.constant 0 : i32
    %dma_start3A_54 = tpu.memref_slice %dma_start3A_51[%dma_start3A_52, %dma_start3A_53] : memref<10000x64xbf16, #tpu.memory_space<hbm>> -> memref<10000x64xbf16, #tpu.memory_space<hbm>>
    tpu.enqueue_indirect_dma source(%dma_start3A_54 : memref<10000x64xbf16, #tpu.memory_space<hbm>>) target(%arg12 : memref<128x64xbf16, #tpu.memory_space<vmem>>) offsets(%dma_start3A_47 : memref<128xi32, #tpu.memory_space<vmem>>) semaphore(%arg16 : memref<!tpu.dma_semaphore, #tpu.memory_space<semaphore_mem>>)
    %scan3A = arith.constant 0 : i32
    %scan3A_55 = arith.constant 0 : i32
    %scan3A_56 = arith.constant 40 : i32
    %scan3A_57 = arith.addi %scan3A_55, %scan3A_56 : i32
    %scan3A_58 = arith.constant 1 : i32
    scf.for %scan3A_94 = %scan3A_55 to %scan3A_57 step %scan3A_58  : i32 {
      %mul3A_95 = arith.constant 4 : i32
      %mul3A_96 = arith.muli %scan3A_94, %mul3A_95 : i32
      %add3A_97 = arith.constant 0 : i32
      %add3A_98 = arith.addi %mul3A_96, %add3A_97 : i32
      %dma_wait3A_99 = arith.constant 0 : i32
      %dma_wait3A_100 = tpu.memref_slice %arg7[%add3A_98, %dma_wait3A_99] : memref<160x128xi32, #tpu.memory_space<vmem>> -> memref<1x128xi32, #tpu.memory_space<vmem>>
      %dma_wait3A_101 = tpu.memref_squeeze %dma_wait3A_100 : memref<1x128xi32, #tpu.memory_space<vmem>> -> memref<128xi32, #tpu.memory_space<vmem>>
      %dma_wait3A_102 = arith.constant 0 : i32
      %dma_wait3A_103 = arith.constant 0 : i32
      %dma_wait3A_104 = tpu.memref_slice %arg4[%arg0, %dma_wait3A_102, %dma_wait3A_103] : memref<2x10000x64xbf16, #tpu.memory_space<hbm>> -> memref<1x10000x64xbf16, #tpu.memory_space<hbm>>
      %dma_wait3A_105 = tpu.memref_squeeze %dma_wait3A_104 : memref<1x10000x64xbf16, #tpu.memory_space<hbm>> -> memref<10000x64xbf16, #tpu.memory_space<hbm>>
      %dma_wait3A_106 = arith.constant 0 : i32
      %dma_wait3A_107 = arith.constant 0 : i32
      %dma_wait3A_108 = tpu.memref_slice %dma_wait3A_105[%dma_wait3A_106, %dma_wait3A_107] : memref<10000x64xbf16, #tpu.memory_space<hbm>> -> memref<10000x64xbf16, #tpu.memory_space<hbm>>
      tpu.wait_indirect_dma semaphore(%arg13 : memref<!tpu.dma_semaphore, #tpu.memory_space<semaphore_mem>>) src(%dma_wait3A_108 : memref<10000x64xbf16, #tpu.memory_space<hbm>>) dst(%arg9 : memref<128x64xbf16, #tpu.memory_space<vmem>>)
      %dma_start3A_109 = arith.constant 0 : i32
      %dma_start3A_110 = tpu.memref_slice %arg8[%add3A_98, %dma_start3A_109] : memref<160x128xi32, #tpu.memory_space<vmem>> -> memref<1x128xi32, #tpu.memory_space<vmem>>
      %dma_start3A_111 = tpu.memref_squeeze %dma_start3A_110 : memref<1x128xi32, #tpu.memory_space<vmem>> -> memref<128xi32, #tpu.memory_space<vmem>>
      %dma_start3A_112 = arith.constant 0 : i32
      %dma_start3A_113 = arith.constant 0 : i32
      %dma_start3A_114 = tpu.memref_slice %arg21[%dma_start3A_112, %dma_start3A_113] : memref<10008x64xbf16, #tpu.memory_space<vmem_shared>> -> memref<10008x64xbf16, #tpu.memory_space<vmem_shared>>
      tpu.enqueue_indirect_dma source(%arg9 : memref<128x64xbf16, #tpu.memory_space<vmem>>) target(%dma_start3A_114 : memref<10008x64xbf16, #tpu.memory_space<vmem_shared>>) offsets(%dma_start3A_111 : memref<128xi32, #tpu.memory_space<vmem>>) semaphore(%arg17 : memref<!tpu.dma_semaphore, #tpu.memory_space<semaphore_mem>>) {add = true}
      %sub3A = arith.constant 1 : i32
      %sub3A_115 = arith.subi %add3A_98, %sub3A : i32
      %ge3A = arith.constant 0 : i32
      %ge3A_116 = arith.cmpi sge, %sub3A_115, %ge3A : i32
      %add3A_117 = arith.constant 4 : i32
      %add3A_118 = arith.addi %sub3A_115, %add3A_117 : i32
      %lt3A = arith.constant 160 : i32
      %lt3A_119 = arith.cmpi slt, %add3A_118, %lt3A : i32
      %and3A = arith.andi %ge3A_116, %lt3A_119 : i1
      %convert_element_type3A_120 = arith.extui %and3A : i1 to i32
      %cond3A_121 = arith.constant 0 : i32
      %cond3A_122 = arith.cmpi ne, %convert_element_type3A_120, %cond3A_121 : i32
      scf.if %cond3A_122 {
        %dma_wait3A_219 = arith.constant 0 : i32
        %dma_wait3A_220 = tpu.memref_slice %arg8[%sub3A_115, %dma_wait3A_219] : memref<160x128xi32, #tpu.memory_space<vmem>> -> memref<1x128xi32, #tpu.memory_space<vmem>>
        %dma_wait3A_221 = tpu.memref_squeeze %dma_wait3A_220 : memref<1x128xi32, #tpu.memory_space<vmem>> -> memref<128xi32, #tpu.memory_space<vmem>>
        %dma_wait3A_222 = arith.constant 0 : i32
        %dma_wait3A_223 = arith.constant 0 : i32
        %dma_wait3A_224 = tpu.memref_slice %arg22[%dma_wait3A_222, %dma_wait3A_223] : memref<10008x64xbf16, #tpu.memory_space<vmem_shared>> -> memref<10008x64xbf16, #tpu.memory_space<vmem_shared>>
        tpu.wait_indirect_dma semaphore(%arg20 : memref<!tpu.dma_semaphore, #tpu.memory_space<semaphore_mem>>) src(%arg12 : memref<128x64xbf16, #tpu.memory_space<vmem>>) dst(%dma_wait3A_224 : memref<10008x64xbf16, #tpu.memory_space<vmem_shared>>)
        %add3A_225 = arith.constant 4 : i32
        %add3A_226 = arith.addi %sub3A_115, %add3A_225 : i32
        %dma_start3A_227 = arith.constant 0 : i32
        %dma_start3A_228 = tpu.memref_slice %arg7[%add3A_226, %dma_start3A_227] : memref<160x128xi32, #tpu.memory_space<vmem>> -> memref<1x128xi32, #tpu.memory_space<vmem>>
        %dma_start3A_229 = tpu.memref_squeeze %dma_start3A_228 : memref<1x128xi32, #tpu.memory_space<vmem>> -> memref<128xi32, #tpu.memory_space<vmem>>
        %dma_start3A_230 = arith.constant 0 : i32
        %dma_start3A_231 = arith.constant 0 : i32
        %dma_start3A_232 = tpu.memref_slice %arg4[%arg0, %dma_start3A_230, %dma_start3A_231] : memref<2x10000x64xbf16, #tpu.memory_space<hbm>> -> memref<1x10000x64xbf16, #tpu.memory_space<hbm>>
        %dma_start3A_233 = tpu.memref_squeeze %dma_start3A_232 : memref<1x10000x64xbf16, #tpu.memory_space<hbm>> -> memref<10000x64xbf16, #tpu.memory_space<hbm>>
        %dma_start3A_234 = arith.constant 0 : i32
        %dma_start3A_235 = arith.constant 0 : i32
        %dma_start3A_236 = tpu.memref_slice %dma_start3A_233[%dma_start3A_234, %dma_start3A_235] : memref<10000x64xbf16, #tpu.memory_space<hbm>> -> memref<10000x64xbf16, #tpu.memory_space<hbm>>
        tpu.enqueue_indirect_dma source(%dma_start3A_236 : memref<10000x64xbf16, #tpu.memory_space<hbm>>) target(%arg12 : memref<128x64xbf16, #tpu.memory_space<vmem>>) offsets(%dma_start3A_229 : memref<128xi32, #tpu.memory_space<vmem>>) semaphore(%arg16 : memref<!tpu.dma_semaphore, #tpu.memory_space<semaphore_mem>>)
      } else {
      }
      %mul3A_123 = arith.constant 4 : i32
      %mul3A_124 = arith.muli %scan3A_94, %mul3A_123 : i32
      %add3A_125 = arith.constant 1 : i32
      %add3A_126 = arith.addi %mul3A_124, %add3A_125 : i32
      %dma_wait3A_127 = arith.constant 0 : i32
      %dma_wait3A_128 = tpu.memref_slice %arg7[%add3A_126, %dma_wait3A_127] : memref<160x128xi32, #tpu.memory_space<vmem>> -> memref<1x128xi32, #tpu.memory_space<vmem>>
      %dma_wait3A_129 = tpu.memref_squeeze %dma_wait3A_128 : memref<1x128xi32, #tpu.memory_space<vmem>> -> memref<128xi32, #tpu.memory_space<vmem>>
      %dma_wait3A_130 = arith.constant 0 : i32
      %dma_wait3A_131 = arith.constant 0 : i32
      %dma_wait3A_132 = tpu.memref_slice %arg4[%arg0, %dma_wait3A_130, %dma_wait3A_131] : memref<2x10000x64xbf16, #tpu.memory_space<hbm>> -> memref<1x10000x64xbf16, #tpu.memory_space<hbm>>
      %dma_wait3A_133 = tpu.memref_squeeze %dma_wait3A_132 : memref<1x10000x64xbf16, #tpu.memory_space<hbm>> -> memref<10000x64xbf16, #tpu.memory_space<hbm>>
      %dma_wait3A_134 = arith.constant 0 : i32
      %dma_wait3A_135 = arith.constant 0 : i32
      %dma_wait3A_136 = tpu.memref_slice %dma_wait3A_133[%dma_wait3A_134, %dma_wait3A_135] : memref<10000x64xbf16, #tpu.memory_space<hbm>> -> memref<10000x64xbf16, #tpu.memory_space<hbm>>
      tpu.wait_indirect_dma semaphore(%arg14 : memref<!tpu.dma_semaphore, #tpu.memory_space<semaphore_mem>>) src(%dma_wait3A_136 : memref<10000x64xbf16, #tpu.memory_space<hbm>>) dst(%arg10 : memref<128x64xbf16, #tpu.memory_space<vmem>>)
      %dma_start3A_137 = arith.constant 0 : i32
      %dma_start3A_138 = tpu.memref_slice %arg8[%add3A_126, %dma_start3A_137] : memref<160x128xi32, #tpu.memory_space<vmem>> -> memref<1x128xi32, #tpu.memory_space<vmem>>
      %dma_start3A_139 = tpu.memref_squeeze %dma_start3A_138 : memref<1x128xi32, #tpu.memory_space<vmem>> -> memref<128xi32, #tpu.memory_space<vmem>>
      %dma_start3A_140 = arith.constant 0 : i32
      %dma_start3A_141 = arith.constant 0 : i32
      %dma_start3A_142 = tpu.memref_slice %arg22[%dma_start3A_140, %dma_start3A_141] : memref<10008x64xbf16, #tpu.memory_space<vmem_shared>> -> memref<10008x64xbf16, #tpu.memory_space<vmem_shared>>
      tpu.enqueue_indirect_dma source(%arg10 : memref<128x64xbf16, #tpu.memory_space<vmem>>) target(%dma_start3A_142 : memref<10008x64xbf16, #tpu.memory_space<vmem_shared>>) offsets(%dma_start3A_139 : memref<128xi32, #tpu.memory_space<vmem>>) semaphore(%arg18 : memref<!tpu.dma_semaphore, #tpu.memory_space<semaphore_mem>>) {add = true}
      %sub3A_143 = arith.constant 1 : i32
      %sub3A_144 = arith.subi %add3A_126, %sub3A_143 : i32
      %ge3A_145 = arith.constant 0 : i32
      %ge3A_146 = arith.cmpi sge, %sub3A_144, %ge3A_145 : i32
      %add3A_147 = arith.constant 4 : i32
      %add3A_148 = arith.addi %sub3A_144, %add3A_147 : i32
      %lt3A_149 = arith.constant 160 : i32
      %lt3A_150 = arith.cmpi slt, %add3A_148, %lt3A_149 : i32
      %and3A_151 = arith.andi %ge3A_146, %lt3A_150 : i1
      %convert_element_type3A_152 = arith.extui %and3A_151 : i1 to i32
      %cond3A_153 = arith.constant 0 : i32
      %cond3A_154 = arith.cmpi ne, %convert_element_type3A_152, %cond3A_153 : i32
      scf.if %cond3A_154 {
        %dma_wait3A_219 = arith.constant 0 : i32
        %dma_wait3A_220 = tpu.memref_slice %arg8[%sub3A_144, %dma_wait3A_219] : memref<160x128xi32, #tpu.memory_space<vmem>> -> memref<1x128xi32, #tpu.memory_space<vmem>>
        %dma_wait3A_221 = tpu.memref_squeeze %dma_wait3A_220 : memref<1x128xi32, #tpu.memory_space<vmem>> -> memref<128xi32, #tpu.memory_space<vmem>>
        %dma_wait3A_222 = arith.constant 0 : i32
        %dma_wait3A_223 = arith.constant 0 : i32
        %dma_wait3A_224 = tpu.memref_slice %arg21[%dma_wait3A_222, %dma_wait3A_223] : memref<10008x64xbf16, #tpu.memory_space<vmem_shared>> -> memref<10008x64xbf16, #tpu.memory_space<vmem_shared>>
        tpu.wait_indirect_dma semaphore(%arg17 : memref<!tpu.dma_semaphore, #tpu.memory_space<semaphore_mem>>) src(%arg9 : memref<128x64xbf16, #tpu.memory_space<vmem>>) dst(%dma_wait3A_224 : memref<10008x64xbf16, #tpu.memory_space<vmem_shared>>)
        %add3A_225 = arith.constant 4 : i32
        %add3A_226 = arith.addi %sub3A_144, %add3A_225 : i32
        %dma_start3A_227 = arith.constant 0 : i32
        %dma_start3A_228 = tpu.memref_slice %arg7[%add3A_226, %dma_start3A_227] : memref<160x128xi32, #tpu.memory_space<vmem>> -> memref<1x128xi32, #tpu.memory_space<vmem>>
        %dma_start3A_229 = tpu.memref_squeeze %dma_start3A_228 : memref<1x128xi32, #tpu.memory_space<vmem>> -> memref<128xi32, #tpu.memory_space<vmem>>
        %dma_start3A_230 = arith.constant 0 : i32
        %dma_start3A_231 = arith.constant 0 : i32
        %dma_start3A_232 = tpu.memref_slice %arg4[%arg0, %dma_start3A_230, %dma_start3A_231] : memref<2x10000x64xbf16, #tpu.memory_space<hbm>> -> memref<1x10000x64xbf16, #tpu.memory_space<hbm>>
        %dma_start3A_233 = tpu.memref_squeeze %dma_start3A_232 : memref<1x10000x64xbf16, #tpu.memory_space<hbm>> -> memref<10000x64xbf16, #tpu.memory_space<hbm>>
        %dma_start3A_234 = arith.constant 0 : i32
        %dma_start3A_235 = arith.constant 0 : i32
        %dma_start3A_236 = tpu.memref_slice %dma_start3A_233[%dma_start3A_234, %dma_start3A_235] : memref<10000x64xbf16, #tpu.memory_space<hbm>> -> memref<10000x64xbf16, #tpu.memory_space<hbm>>
        tpu.enqueue_indirect_dma source(%dma_start3A_236 : memref<10000x64xbf16, #tpu.memory_space<hbm>>) target(%arg9 : memref<128x64xbf16, #tpu.memory_space<vmem>>) offsets(%dma_start3A_229 : memref<128xi32, #tpu.memory_space<vmem>>) semaphore(%arg13 : memref<!tpu.dma_semaphore, #tpu.memory_space<semaphore_mem>>)
      } else {
      }
      %mul3A_155 = arith.constant 4 : i32
      %mul3A_156 = arith.muli %scan3A_94, %mul3A_155 : i32
      %add3A_157 = arith.constant 2 : i32
      %add3A_158 = arith.addi %mul3A_156, %add3A_157 : i32
      %dma_wait3A_159 = arith.constant 0 : i32
      %dma_wait3A_160 = tpu.memref_slice %arg7[%add3A_158, %dma_wait3A_159] : memref<160x128xi32, #tpu.memory_space<vmem>> -> memref<1x128xi32, #tpu.memory_space<vmem>>
      %dma_wait3A_161 = tpu.memref_squeeze %dma_wait3A_160 : memref<1x128xi32, #tpu.memory_space<vmem>> -> memref<128xi32, #tpu.memory_space<vmem>>
      %dma_wait3A_162 = arith.constant 0 : i32
      %dma_wait3A_163 = arith.constant 0 : i32
      %dma_wait3A_164 = tpu.memref_slice %arg4[%arg0, %dma_wait3A_162, %dma_wait3A_163] : memref<2x10000x64xbf16, #tpu.memory_space<hbm>> -> memref<1x10000x64xbf16, #tpu.memory_space<hbm>>
      %dma_wait3A_165 = tpu.memref_squeeze %dma_wait3A_164 : memref<1x10000x64xbf16, #tpu.memory_space<hbm>> -> memref<10000x64xbf16, #tpu.memory_space<hbm>>
      %dma_wait3A_166 = arith.constant 0 : i32
      %dma_wait3A_167 = arith.constant 0 : i32
      %dma_wait3A_168 = tpu.memref_slice %dma_wait3A_165[%dma_wait3A_166, %dma_wait3A_167] : memref<10000x64xbf16, #tpu.memory_space<hbm>> -> memref<10000x64xbf16, #tpu.memory_space<hbm>>
      tpu.wait_indirect_dma semaphore(%arg15 : memref<!tpu.dma_semaphore, #tpu.memory_space<semaphore_mem>>) src(%dma_wait3A_168 : memref<10000x64xbf16, #tpu.memory_space<hbm>>) dst(%arg11 : memref<128x64xbf16, #tpu.memory_space<vmem>>)
      %dma_start3A_169 = arith.constant 0 : i32
      %dma_start3A_170 = tpu.memref_slice %arg8[%add3A_158, %dma_start3A_169] : memref<160x128xi32, #tpu.memory_space<vmem>> -> memref<1x128xi32, #tpu.memory_space<vmem>>
      %dma_start3A_171 = tpu.memref_squeeze %dma_start3A_170 : memref<1x128xi32, #tpu.memory_space<vmem>> -> memref<128xi32, #tpu.memory_space<vmem>>
      %dma_start3A_172 = arith.constant 0 : i32
      %dma_start3A_173 = arith.constant 0 : i32
      %dma_start3A_174 = tpu.memref_slice %arg21[%dma_start3A_172, %dma_start3A_173] : memref<10008x64xbf16, #tpu.memory_space<vmem_shared>> -> memref<10008x64xbf16, #tpu.memory_space<vmem_shared>>
      tpu.enqueue_indirect_dma source(%arg11 : memref<128x64xbf16, #tpu.memory_space<vmem>>) target(%dma_start3A_174 : memref<10008x64xbf16, #tpu.memory_space<vmem_shared>>) offsets(%dma_start3A_171 : memref<128xi32, #tpu.memory_space<vmem>>) semaphore(%arg19 : memref<!tpu.dma_semaphore, #tpu.memory_space<semaphore_mem>>) {add = true}
      %sub3A_175 = arith.constant 1 : i32
      %sub3A_176 = arith.subi %add3A_158, %sub3A_175 : i32
      %ge3A_177 = arith.constant 0 : i32
      %ge3A_178 = arith.cmpi sge, %sub3A_176, %ge3A_177 : i32
      %add3A_179 = arith.constant 4 : i32
      %add3A_180 = arith.addi %sub3A_176, %add3A_179 : i32
      %lt3A_181 = arith.constant 160 : i32
      %lt3A_182 = arith.cmpi slt, %add3A_180, %lt3A_181 : i32
      %and3A_183 = arith.andi %ge3A_178, %lt3A_182 : i1
      %convert_element_type3A_184 = arith.extui %and3A_183 : i1 to i32
      %cond3A_185 = arith.constant 0 : i32
      %cond3A_186 = arith.cmpi ne, %convert_element_type3A_184, %cond3A_185 : i32
      scf.if %cond3A_186 {
        %dma_wait3A_219 = arith.constant 0 : i32
        %dma_wait3A_220 = tpu.memref_slice %arg8[%sub3A_176, %dma_wait3A_219] : memref<160x128xi32, #tpu.memory_space<vmem>> -> memref<1x128xi32, #tpu.memory_space<vmem>>
        %dma_wait3A_221 = tpu.memref_squeeze %dma_wait3A_220 : memref<1x128xi32, #tpu.memory_space<vmem>> -> memref<128xi32, #tpu.memory_space<vmem>>
        %dma_wait3A_222 = arith.constant 0 : i32
        %dma_wait3A_223 = arith.constant 0 : i32
        %dma_wait3A_224 = tpu.memref_slice %arg22[%dma_wait3A_222, %dma_wait3A_223] : memref<10008x64xbf16, #tpu.memory_space<vmem_shared>> -> memref<10008x64xbf16, #tpu.memory_space<vmem_shared>>
        tpu.wait_indirect_dma semaphore(%arg18 : memref<!tpu.dma_semaphore, #tpu.memory_space<semaphore_mem>>) src(%arg10 : memref<128x64xbf16, #tpu.memory_space<vmem>>) dst(%dma_wait3A_224 : memref<10008x64xbf16, #tpu.memory_space<vmem_shared>>)
        %add3A_225 = arith.constant 4 : i32
        %add3A_226 = arith.addi %sub3A_176, %add3A_225 : i32
        %dma_start3A_227 = arith.constant 0 : i32
        %dma_start3A_228 = tpu.memref_slice %arg7[%add3A_226, %dma_start3A_227] : memref<160x128xi32, #tpu.memory_space<vmem>> -> memref<1x128xi32, #tpu.memory_space<vmem>>
        %dma_start3A_229 = tpu.memref_squeeze %dma_start3A_228 : memref<1x128xi32, #tpu.memory_space<vmem>> -> memref<128xi32, #tpu.memory_space<vmem>>
        %dma_start3A_230 = arith.constant 0 : i32
        %dma_start3A_231 = arith.constant 0 : i32
        %dma_start3A_232 = tpu.memref_slice %arg4[%arg0, %dma_start3A_230, %dma_start3A_231] : memref<2x10000x64xbf16, #tpu.memory_space<hbm>> -> memref<1x10000x64xbf16, #tpu.memory_space<hbm>>
        %dma_start3A_233 = tpu.memref_squeeze %dma_start3A_232 : memref<1x10000x64xbf16, #tpu.memory_space<hbm>> -> memref<10000x64xbf16, #tpu.memory_space<hbm>>
        %dma_start3A_234 = arith.constant 0 : i32
        %dma_start3A_235 = arith.constant 0 : i32
        %dma_start3A_236 = tpu.memref_slice %dma_start3A_233[%dma_start3A_234, %dma_start3A_235] : memref<10000x64xbf16, #tpu.memory_space<hbm>> -> memref<10000x64xbf16, #tpu.memory_space<hbm>>
        tpu.enqueue_indirect_dma source(%dma_start3A_236 : memref<10000x64xbf16, #tpu.memory_space<hbm>>) target(%arg10 : memref<128x64xbf16, #tpu.memory_space<vmem>>) offsets(%dma_start3A_229 : memref<128xi32, #tpu.memory_space<vmem>>) semaphore(%arg14 : memref<!tpu.dma_semaphore, #tpu.memory_space<semaphore_mem>>)
      } else {
      }
      %mul3A_187 = arith.constant 4 : i32
      %mul3A_188 = arith.muli %scan3A_94, %mul3A_187 : i32
      %add3A_189 = arith.constant 3 : i32
      %add3A_190 = arith.addi %mul3A_188, %add3A_189 : i32
      %dma_wait3A_191 = arith.constant 0 : i32
      %dma_wait3A_192 = tpu.memref_slice %arg7[%add3A_190, %dma_wait3A_191] : memref<160x128xi32, #tpu.memory_space<vmem>> -> memref<1x128xi32, #tpu.memory_space<vmem>>
      %dma_wait3A_193 = tpu.memref_squeeze %dma_wait3A_192 : memref<1x128xi32, #tpu.memory_space<vmem>> -> memref<128xi32, #tpu.memory_space<vmem>>
      %dma_wait3A_194 = arith.constant 0 : i32
      %dma_wait3A_195 = arith.constant 0 : i32
      %dma_wait3A_196 = tpu.memref_slice %arg4[%arg0, %dma_wait3A_194, %dma_wait3A_195] : memref<2x10000x64xbf16, #tpu.memory_space<hbm>> -> memref<1x10000x64xbf16, #tpu.memory_space<hbm>>
      %dma_wait3A_197 = tpu.memref_squeeze %dma_wait3A_196 : memref<1x10000x64xbf16, #tpu.memory_space<hbm>> -> memref<10000x64xbf16, #tpu.memory_space<hbm>>
      %dma_wait3A_198 = arith.constant 0 : i32
      %dma_wait3A_199 = arith.constant 0 : i32
      %dma_wait3A_200 = tpu.memref_slice %dma_wait3A_197[%dma_wait3A_198, %dma_wait3A_199] : memref<10000x64xbf16, #tpu.memory_space<hbm>> -> memref<10000x64xbf16, #tpu.memory_space<hbm>>
      tpu.wait_indirect_dma semaphore(%arg16 : memref<!tpu.dma_semaphore, #tpu.memory_space<semaphore_mem>>) src(%dma_wait3A_200 : memref<10000x64xbf16, #tpu.memory_space<hbm>>) dst(%arg12 : memref<128x64xbf16, #tpu.memory_space<vmem>>)
      %dma_start3A_201 = arith.constant 0 : i32
      %dma_start3A_202 = tpu.memref_slice %arg8[%add3A_190, %dma_start3A_201] : memref<160x128xi32, #tpu.memory_space<vmem>> -> memref<1x128xi32, #tpu.memory_space<vmem>>
      %dma_start3A_203 = tpu.memref_squeeze %dma_start3A_202 : memref<1x128xi32, #tpu.memory_space<vmem>> -> memref<128xi32, #tpu.memory_space<vmem>>
      %dma_start3A_204 = arith.constant 0 : i32
      %dma_start3A_205 = arith.constant 0 : i32
      %dma_start3A_206 = tpu.memref_slice %arg22[%dma_start3A_204, %dma_start3A_205] : memref<10008x64xbf16, #tpu.memory_space<vmem_shared>> -> memref<10008x64xbf16, #tpu.memory_space<vmem_shared>>
      tpu.enqueue_indirect_dma source(%arg12 : memref<128x64xbf16, #tpu.memory_space<vmem>>) target(%dma_start3A_206 : memref<10008x64xbf16, #tpu.memory_space<vmem_shared>>) offsets(%dma_start3A_203 : memref<128xi32, #tpu.memory_space<vmem>>) semaphore(%arg20 : memref<!tpu.dma_semaphore, #tpu.memory_space<semaphore_mem>>) {add = true}
      %sub3A_207 = arith.constant 1 : i32
      %sub3A_208 = arith.subi %add3A_190, %sub3A_207 : i32
      %ge3A_209 = arith.constant 0 : i32
      %ge3A_210 = arith.cmpi sge, %sub3A_208, %ge3A_209 : i32
      %add3A_211 = arith.constant 4 : i32
      %add3A_212 = arith.addi %sub3A_208, %add3A_211 : i32
      %lt3A_213 = arith.constant 160 : i32
      %lt3A_214 = arith.cmpi slt, %add3A_212, %lt3A_213 : i32
      %and3A_215 = arith.andi %ge3A_210, %lt3A_214 : i1
      %convert_element_type3A_216 = arith.extui %and3A_215 : i1 to i32
      %cond3A_217 = arith.constant 0 : i32
      %cond3A_218 = arith.cmpi ne, %convert_element_type3A_216, %cond3A_217 : i32
      scf.if %cond3A_218 {
        %dma_wait3A_219 = arith.constant 0 : i32
        %dma_wait3A_220 = tpu.memref_slice %arg8[%sub3A_208, %dma_wait3A_219] : memref<160x128xi32, #tpu.memory_space<vmem>> -> memref<1x128xi32, #tpu.memory_space<vmem>>
        %dma_wait3A_221 = tpu.memref_squeeze %dma_wait3A_220 : memref<1x128xi32, #tpu.memory_space<vmem>> -> memref<128xi32, #tpu.memory_space<vmem>>
        %dma_wait3A_222 = arith.constant 0 : i32
        %dma_wait3A_223 = arith.constant 0 : i32
        %dma_wait3A_224 = tpu.memref_slice %arg21[%dma_wait3A_222, %dma_wait3A_223] : memref<10008x64xbf16, #tpu.memory_space<vmem_shared>> -> memref<10008x64xbf16, #tpu.memory_space<vmem_shared>>
        tpu.wait_indirect_dma semaphore(%arg19 : memref<!tpu.dma_semaphore, #tpu.memory_space<semaphore_mem>>) src(%arg11 : memref<128x64xbf16, #tpu.memory_space<vmem>>) dst(%dma_wait3A_224 : memref<10008x64xbf16, #tpu.memory_space<vmem_shared>>)
        %add3A_225 = arith.constant 4 : i32
        %add3A_226 = arith.addi %sub3A_208, %add3A_225 : i32
        %dma_start3A_227 = arith.constant 0 : i32
        %dma_start3A_228 = tpu.memref_slice %arg7[%add3A_226, %dma_start3A_227] : memref<160x128xi32, #tpu.memory_space<vmem>> -> memref<1x128xi32, #tpu.memory_space<vmem>>
        %dma_start3A_229 = tpu.memref_squeeze %dma_start3A_228 : memref<1x128xi32, #tpu.memory_space<vmem>> -> memref<128xi32, #tpu.memory_space<vmem>>
        %dma_start3A_230 = arith.constant 0 : i32
        %dma_start3A_231 = arith.constant 0 : i32
        %dma_start3A_232 = tpu.memref_slice %arg4[%arg0, %dma_start3A_230, %dma_start3A_231] : memref<2x10000x64xbf16, #tpu.memory_space<hbm>> -> memref<1x10000x64xbf16, #tpu.memory_space<hbm>>
        %dma_start3A_233 = tpu.memref_squeeze %dma_start3A_232 : memref<1x10000x64xbf16, #tpu.memory_space<hbm>> -> memref<10000x64xbf16, #tpu.memory_space<hbm>>
        %dma_start3A_234 = arith.constant 0 : i32
        %dma_start3A_235 = arith.constant 0 : i32
        %dma_start3A_236 = tpu.memref_slice %dma_start3A_233[%dma_start3A_234, %dma_start3A_235] : memref<10000x64xbf16, #tpu.memory_space<hbm>> -> memref<10000x64xbf16, #tpu.memory_space<hbm>>
        tpu.enqueue_indirect_dma source(%dma_start3A_236 : memref<10000x64xbf16, #tpu.memory_space<hbm>>) target(%arg11 : memref<128x64xbf16, #tpu.memory_space<vmem>>) offsets(%dma_start3A_229 : memref<128xi32, #tpu.memory_space<vmem>>) semaphore(%arg15 : memref<!tpu.dma_semaphore, #tpu.memory_space<semaphore_mem>>)
      } else {
      }
    }
    %scan3A_59 = arith.constant 40 : i32
    %dma_wait3A = arith.constant 156 : i32
    %dma_wait3A_60 = arith.constant 0 : i32
    %dma_wait3A_61 = tpu.memref_slice %arg8[%dma_wait3A, %dma_wait3A_60] : memref<160x128xi32, #tpu.memory_space<vmem>> -> memref<1x128xi32, #tpu.memory_space<vmem>>
    %dma_wait3A_62 = tpu.memref_squeeze %dma_wait3A_61 : memref<1x128xi32, #tpu.memory_space<vmem>> -> memref<128xi32, #tpu.memory_space<vmem>>
    %dma_wait3A_63 = arith.constant 0 : i32
    %dma_wait3A_64 = arith.constant 0 : i32
    %dma_wait3A_65 = tpu.memref_slice %arg21[%dma_wait3A_63, %dma_wait3A_64] : memref<10008x64xbf16, #tpu.memory_space<vmem_shared>> -> memref<10008x64xbf16, #tpu.memory_space<vmem_shared>>
    tpu.wait_indirect_dma semaphore(%arg17 : memref<!tpu.dma_semaphore, #tpu.memory_space<semaphore_mem>>) src(%arg9 : memref<128x64xbf16, #tpu.memory_space<vmem>>) dst(%dma_wait3A_65 : memref<10008x64xbf16, #tpu.memory_space<vmem_shared>>)
    %dma_wait3A_66 = arith.constant 157 : i32
    %dma_wait3A_67 = arith.constant 0 : i32
    %dma_wait3A_68 = tpu.memref_slice %arg8[%dma_wait3A_66, %dma_wait3A_67] : memref<160x128xi32, #tpu.memory_space<vmem>> -> memref<1x128xi32, #tpu.memory_space<vmem>>
    %dma_wait3A_69 = tpu.memref_squeeze %dma_wait3A_68 : memref<1x128xi32, #tpu.memory_space<vmem>> -> memref<128xi32, #tpu.memory_space<vmem>>
    %dma_wait3A_70 = arith.constant 0 : i32
    %dma_wait3A_71 = arith.constant 0 : i32
    %dma_wait3A_72 = tpu.memref_slice %arg22[%dma_wait3A_70, %dma_wait3A_71] : memref<10008x64xbf16, #tpu.memory_space<vmem_shared>> -> memref<10008x64xbf16, #tpu.memory_space<vmem_shared>>
    tpu.wait_indirect_dma semaphore(%arg18 : memref<!tpu.dma_semaphore, #tpu.memory_space<semaphore_mem>>) src(%arg10 : memref<128x64xbf16, #tpu.memory_space<vmem>>) dst(%dma_wait3A_72 : memref<10008x64xbf16, #tpu.memory_space<vmem_shared>>)
    %dma_wait3A_73 = arith.constant 158 : i32
    %dma_wait3A_74 = arith.constant 0 : i32
    %dma_wait3A_75 = tpu.memref_slice %arg8[%dma_wait3A_73, %dma_wait3A_74] : memref<160x128xi32, #tpu.memory_space<vmem>> -> memref<1x128xi32, #tpu.memory_space<vmem>>
    %dma_wait3A_76 = tpu.memref_squeeze %dma_wait3A_75 : memref<1x128xi32, #tpu.memory_space<vmem>> -> memref<128xi32, #tpu.memory_space<vmem>>
    %dma_wait3A_77 = arith.constant 0 : i32
    %dma_wait3A_78 = arith.constant 0 : i32
    %dma_wait3A_79 = tpu.memref_slice %arg21[%dma_wait3A_77, %dma_wait3A_78] : memref<10008x64xbf16, #tpu.memory_space<vmem_shared>> -> memref<10008x64xbf16, #tpu.memory_space<vmem_shared>>
    tpu.wait_indirect_dma semaphore(%arg19 : memref<!tpu.dma_semaphore, #tpu.memory_space<semaphore_mem>>) src(%arg11 : memref<128x64xbf16, #tpu.memory_space<vmem>>) dst(%dma_wait3A_79 : memref<10008x64xbf16, #tpu.memory_space<vmem_shared>>)
    %dma_wait3A_80 = arith.constant 159 : i32
    %dma_wait3A_81 = arith.constant 0 : i32
    %dma_wait3A_82 = tpu.memref_slice %arg8[%dma_wait3A_80, %dma_wait3A_81] : memref<160x128xi32, #tpu.memory_space<vmem>> -> memref<1x128xi32, #tpu.memory_space<vmem>>
    %dma_wait3A_83 = tpu.memref_squeeze %dma_wait3A_82 : memref<1x128xi32, #tpu.memory_space<vmem>> -> memref<128xi32, #tpu.memory_space<vmem>>
    %dma_wait3A_84 = arith.constant 0 : i32
    %dma_wait3A_85 = arith.constant 0 : i32
    %dma_wait3A_86 = tpu.memref_slice %arg22[%dma_wait3A_84, %dma_wait3A_85] : memref<10008x64xbf16, #tpu.memory_space<vmem_shared>> -> memref<10008x64xbf16, #tpu.memory_space<vmem_shared>>
    tpu.wait_indirect_dma semaphore(%arg20 : memref<!tpu.dma_semaphore, #tpu.memory_space<semaphore_mem>>) src(%arg12 : memref<128x64xbf16, #tpu.memory_space<vmem>>) dst(%dma_wait3A_86 : memref<10008x64xbf16, #tpu.memory_space<vmem_shared>>)
    %barrier3A_87 = arith.constant 0 : index
    tpu.barrier barrier_id(%barrier3A_87)
    %run_scoped3A = arith.constant 0 : i32
    "tpu.region"() ({
      %run_scoped3A_94 = tpu.sem_alloc : memref<!tpu.dma_semaphore, #tpu.memory_space<semaphore_mem>>
      %dma_start3A_95 = arith.constant 0 : i32
      %dma_start3A_96 = arith.constant 0 : i32
      %dma_start3A_97 = arith.constant 0 : i32
      %dma_start3A_98 = tpu.memref_slice %arg6[%arg0, %dma_start3A_95, %dma_start3A_96, %dma_start3A_97] : memref<2x2x10008x64xbf16, #tpu.memory_space<hbm>> -> memref<1x2x10008x64xbf16, #tpu.memory_space<hbm>>
      %dma_start3A_99 = tpu.memref_squeeze %dma_start3A_98 : memref<1x2x10008x64xbf16, #tpu.memory_space<hbm>> -> memref<2x10008x64xbf16, #tpu.memory_space<hbm>>
      %dma_start3A_100 = arith.constant 0 : i32
      %dma_start3A_101 = arith.constant 0 : i32
      %dma_start3A_102 = tpu.memref_slice %dma_start3A_99[%run_scoped3A, %dma_start3A_100, %dma_start3A_101] : memref<2x10008x64xbf16, #tpu.memory_space<hbm>> -> memref<1x10008x64xbf16, #tpu.memory_space<hbm>>
      %dma_start3A_103 = tpu.memref_squeeze %dma_start3A_102 : memref<1x10008x64xbf16, #tpu.memory_space<hbm>> -> memref<10008x64xbf16, #tpu.memory_space<hbm>>
      %dma_start3A_104 = arith.constant 0 : i32
      %dma_start3A_105 = tpu.memref_slice %dma_start3A_103[%mul3A_0, %dma_start3A_104] : memref<10008x64xbf16, #tpu.memory_space<hbm>> -> memref<624x64xbf16, #tpu.memory_space<hbm>>
      %dma_start3A_106 = arith.constant 0 : i32
      %dma_start3A_107 = tpu.memref_slice %arg21[%mul3A_0, %dma_start3A_106] : memref<10008x64xbf16, #tpu.memory_space<vmem_shared>> -> memref<624x64xbf16, #tpu.memory_space<vmem_shared>>
      tpu.enqueue_dma source(%dma_start3A_107 : memref<624x64xbf16, #tpu.memory_space<vmem_shared>>) target(%dma_start3A_105 : memref<624x64xbf16, #tpu.memory_space<hbm>>) target_semaphore(%run_scoped3A_94 : memref<!tpu.dma_semaphore, #tpu.memory_space<semaphore_mem>>)
      %dma_wait3A_108 = arith.constant 0 : i32
      %dma_wait3A_109 = arith.constant 0 : i32
      %dma_wait3A_110 = arith.constant 0 : i32
      %dma_wait3A_111 = tpu.memref_slice %arg6[%arg0, %dma_wait3A_108, %dma_wait3A_109, %dma_wait3A_110] : memref<2x2x10008x64xbf16, #tpu.memory_space<hbm>> -> memref<1x2x10008x64xbf16, #tpu.memory_space<hbm>>
      %dma_wait3A_112 = tpu.memref_squeeze %dma_wait3A_111 : memref<1x2x10008x64xbf16, #tpu.memory_space<hbm>> -> memref<2x10008x64xbf16, #tpu.memory_space<hbm>>
      %dma_wait3A_113 = arith.constant 0 : i32
      %dma_wait3A_114 = arith.constant 0 : i32
      %dma_wait3A_115 = tpu.memref_slice %dma_wait3A_112[%run_scoped3A, %dma_wait3A_113, %dma_wait3A_114] : memref<2x10008x64xbf16, #tpu.memory_space<hbm>> -> memref<1x10008x64xbf16, #tpu.memory_space<hbm>>
      %dma_wait3A_116 = tpu.memref_squeeze %dma_wait3A_115 : memref<1x10008x64xbf16, #tpu.memory_space<hbm>> -> memref<10008x64xbf16, #tpu.memory_space<hbm>>
      %dma_wait3A_117 = arith.constant 0 : i32
      %dma_wait3A_118 = tpu.memref_slice %dma_wait3A_116[%mul3A_0, %dma_wait3A_117] : memref<10008x64xbf16, #tpu.memory_space<hbm>> -> memref<624x64xbf16, #tpu.memory_space<hbm>>
      %dma_wait3A_119 = arith.constant 0 : i32
      %dma_wait3A_120 = tpu.memref_slice %arg21[%mul3A_0, %dma_wait3A_119] : memref<10008x64xbf16, #tpu.memory_space<vmem_shared>> -> memref<624x64xbf16, #tpu.memory_space<vmem_shared>>
      tpu.wait_dma2 semaphore(%run_scoped3A_94 : memref<!tpu.dma_semaphore, #tpu.memory_space<semaphore_mem>>) src(%dma_wait3A_120 : memref<624x64xbf16, #tpu.memory_space<vmem_shared>>) dst(%dma_wait3A_118 : memref<624x64xbf16, #tpu.memory_space<hbm>>)
      tpu.yield
    }) : () -> ()
    %run_scoped3A_88 = arith.constant 1 : i32
    "tpu.region"() ({
      %run_scoped3A_94 = tpu.sem_alloc : memref<!tpu.dma_semaphore, #tpu.memory_space<semaphore_mem>>
      %dma_start3A_95 = arith.constant 0 : i32
      %dma_start3A_96 = arith.constant 0 : i32
      %dma_start3A_97 = arith.constant 0 : i32
      %dma_start3A_98 = tpu.memref_slice %arg6[%arg0, %dma_start3A_95, %dma_start3A_96, %dma_start3A_97] : memref<2x2x10008x64xbf16, #tpu.memory_space<hbm>> -> memref<1x2x10008x64xbf16, #tpu.memory_space<hbm>>
      %dma_start3A_99 = tpu.memref_squeeze %dma_start3A_98 : memref<1x2x10008x64xbf16, #tpu.memory_space<hbm>> -> memref<2x10008x64xbf16, #tpu.memory_space<hbm>>
      %dma_start3A_100 = arith.constant 0 : i32
      %dma_start3A_101 = arith.constant 0 : i32
      %dma_start3A_102 = tpu.memref_slice %dma_start3A_99[%run_scoped3A_88, %dma_start3A_100, %dma_start3A_101] : memref<2x10008x64xbf16, #tpu.memory_space<hbm>> -> memref<1x10008x64xbf16, #tpu.memory_space<hbm>>
      %dma_start3A_103 = tpu.memref_squeeze %dma_start3A_102 : memref<1x10008x64xbf16, #tpu.memory_space<hbm>> -> memref<10008x64xbf16, #tpu.memory_space<hbm>>
      %dma_start3A_104 = arith.constant 0 : i32
      %dma_start3A_105 = tpu.memref_slice %dma_start3A_103[%mul3A_0, %dma_start3A_104] : memref<10008x64xbf16, #tpu.memory_space<hbm>> -> memref<624x64xbf16, #tpu.memory_space<hbm>>
      %dma_start3A_106 = arith.constant 0 : i32
      %dma_start3A_107 = tpu.memref_slice %arg22[%mul3A_0, %dma_start3A_106] : memref<10008x64xbf16, #tpu.memory_space<vmem_shared>> -> memref<624x64xbf16, #tpu.memory_space<vmem_shared>>
      tpu.enqueue_dma source(%dma_start3A_107 : memref<624x64xbf16, #tpu.memory_space<vmem_shared>>) target(%dma_start3A_105 : memref<624x64xbf16, #tpu.memory_space<hbm>>) target_semaphore(%run_scoped3A_94 : memref<!tpu.dma_semaphore, #tpu.memory_space<semaphore_mem>>)
      %dma_wait3A_108 = arith.constant 0 : i32
      %dma_wait3A_109 = arith.constant 0 : i32
      %dma_wait3A_110 = arith.constant 0 : i32
      %dma_wait3A_111 = tpu.memref_slice %arg6[%arg0, %dma_wait3A_108, %dma_wait3A_109, %dma_wait3A_110] : memref<2x2x10008x64xbf16, #tpu.memory_space<hbm>> -> memref<1x2x10008x64xbf16, #tpu.memory_space<hbm>>
      %dma_wait3A_112 = tpu.memref_squeeze %dma_wait3A_111 : memref<1x2x10008x64xbf16, #tpu.memory_space<hbm>> -> memref<2x10008x64xbf16, #tpu.memory_space<hbm>>
      %dma_wait3A_113 = arith.constant 0 : i32
      %dma_wait3A_114 = arith.constant 0 : i32
      %dma_wait3A_115 = tpu.memref_slice %dma_wait3A_112[%run_scoped3A_88, %dma_wait3A_113, %dma_wait3A_114] : memref<2x10008x64xbf16, #tpu.memory_space<hbm>> -> memref<1x10008x64xbf16, #tpu.memory_space<hbm>>
      %dma_wait3A_116 = tpu.memref_squeeze %dma_wait3A_115 : memref<1x10008x64xbf16, #tpu.memory_space<hbm>> -> memref<10008x64xbf16, #tpu.memory_space<hbm>>
      %dma_wait3A_117 = arith.constant 0 : i32
      %dma_wait3A_118 = tpu.memref_slice %dma_wait3A_116[%mul3A_0, %dma_wait3A_117] : memref<10008x64xbf16, #tpu.memory_space<hbm>> -> memref<624x64xbf16, #tpu.memory_space<hbm>>
      %dma_wait3A_119 = arith.constant 0 : i32
      %dma_wait3A_120 = tpu.memref_slice %arg22[%mul3A_0, %dma_wait3A_119] : memref<10008x64xbf16, #tpu.memory_space<vmem_shared>> -> memref<624x64xbf16, #tpu.memory_space<vmem_shared>>
      tpu.wait_dma2 semaphore(%run_scoped3A_94 : memref<!tpu.dma_semaphore, #tpu.memory_space<semaphore_mem>>) src(%dma_wait3A_120 : memref<624x64xbf16, #tpu.memory_space<vmem_shared>>) dst(%dma_wait3A_118 : memref<624x64xbf16, #tpu.memory_space<hbm>>)
      tpu.yield
    }) : () -> ()
    %eq3A_89 = arith.constant 0 : i32
    %eq3A_90 = arith.cmpi eq, %arg1, %eq3A_89 : i32
    %convert_element_type3A_91 = arith.extui %eq3A_90 : i1 to i32
    %cond3A_92 = arith.constant 0 : i32
    %cond3A_93 = arith.cmpi ne, %convert_element_type3A_91, %cond3A_92 : i32
    scf.if %cond3A_93 {
      %run_scoped3A_94 = arith.constant 0 : i32
      "tpu.region"() ({
        %run_scoped3A_96 = tpu.sem_alloc : memref<!tpu.dma_semaphore, #tpu.memory_space<semaphore_mem>>
        %dma_start3A_97 = arith.constant 0 : i32
        %dma_start3A_98 = arith.constant 0 : i32
        %dma_start3A_99 = arith.constant 0 : i32
        %dma_start3A_100 = tpu.memref_slice %arg6[%arg0, %dma_start3A_97, %dma_start3A_98, %dma_start3A_99] : memref<2x2x10008x64xbf16, #tpu.memory_space<hbm>> -> memref<1x2x10008x64xbf16, #tpu.memory_space<hbm>>
        %dma_start3A_101 = tpu.memref_squeeze %dma_start3A_100 : memref<1x2x10008x64xbf16, #tpu.memory_space<hbm>> -> memref<2x10008x64xbf16, #tpu.memory_space<hbm>>
        %dma_start3A_102 = arith.constant 0 : i32
        %dma_start3A_103 = arith.constant 0 : i32
        %dma_start3A_104 = tpu.memref_slice %dma_start3A_101[%run_scoped3A_94, %dma_start3A_102, %dma_start3A_103] : memref<2x10008x64xbf16, #tpu.memory_space<hbm>> -> memref<1x10008x64xbf16, #tpu.memory_space<hbm>>
        %dma_start3A_105 = tpu.memref_squeeze %dma_start3A_104 : memref<1x10008x64xbf16, #tpu.memory_space<hbm>> -> memref<10008x64xbf16, #tpu.memory_space<hbm>>
        %dma_start3A_106 = arith.constant 9984 : i32
        %dma_start3A_107 = arith.constant 0 : i32
        %dma_start3A_108 = tpu.memref_slice %dma_start3A_105[%dma_start3A_106, %dma_start3A_107] : memref<10008x64xbf16, #tpu.memory_space<hbm>> -> memref<16x64xbf16, #tpu.memory_space<hbm>>
        %dma_start3A_109 = arith.constant 9984 : i32
        %dma_start3A_110 = arith.constant 0 : i32
        %dma_start3A_111 = tpu.memref_slice %arg21[%dma_start3A_109, %dma_start3A_110] : memref<10008x64xbf16, #tpu.memory_space<vmem_shared>> -> memref<16x64xbf16, #tpu.memory_space<vmem_shared>>
        tpu.enqueue_dma source(%dma_start3A_111 : memref<16x64xbf16, #tpu.memory_space<vmem_shared>>) target(%dma_start3A_108 : memref<16x64xbf16, #tpu.memory_space<hbm>>) target_semaphore(%run_scoped3A_96 : memref<!tpu.dma_semaphore, #tpu.memory_space<semaphore_mem>>)
        %dma_wait3A_112 = arith.constant 0 : i32
        %dma_wait3A_113 = arith.constant 0 : i32
        %dma_wait3A_114 = arith.constant 0 : i32
        %dma_wait3A_115 = tpu.memref_slice %arg6[%arg0, %dma_wait3A_112, %dma_wait3A_113, %dma_wait3A_114] : memref<2x2x10008x64xbf16, #tpu.memory_space<hbm>> -> memref<1x2x10008x64xbf16, #tpu.memory_space<hbm>>
        %dma_wait3A_116 = tpu.memref_squeeze %dma_wait3A_115 : memref<1x2x10008x64xbf16, #tpu.memory_space<hbm>> -> memref<2x10008x64xbf16, #tpu.memory_space<hbm>>
        %dma_wait3A_117 = arith.constant 0 : i32
        %dma_wait3A_118 = arith.constant 0 : i32
        %dma_wait3A_119 = tpu.memref_slice %dma_wait3A_116[%run_scoped3A_94, %dma_wait3A_117, %dma_wait3A_118] : memref<2x10008x64xbf16, #tpu.memory_space<hbm>> -> memref<1x10008x64xbf16, #tpu.memory_space<hbm>>
        %dma_wait3A_120 = tpu.memref_squeeze %dma_wait3A_119 : memref<1x10008x64xbf16, #tpu.memory_space<hbm>> -> memref<10008x64xbf16, #tpu.memory_space<hbm>>
        %dma_wait3A_121 = arith.constant 9984 : i32
        %dma_wait3A_122 = arith.constant 0 : i32
        %dma_wait3A_123 = tpu.memref_slice %dma_wait3A_120[%dma_wait3A_121, %dma_wait3A_122] : memref<10008x64xbf16, #tpu.memory_space<hbm>> -> memref<16x64xbf16, #tpu.memory_space<hbm>>
        %dma_wait3A_124 = arith.constant 9984 : i32
        %dma_wait3A_125 = arith.constant 0 : i32
        %dma_wait3A_126 = tpu.memref_slice %arg21[%dma_wait3A_124, %dma_wait3A_125] : memref<10008x64xbf16, #tpu.memory_space<vmem_shared>> -> memref<16x64xbf16, #tpu.memory_space<vmem_shared>>
        tpu.wait_dma2 semaphore(%run_scoped3A_96 : memref<!tpu.dma_semaphore, #tpu.memory_space<semaphore_mem>>) src(%dma_wait3A_126 : memref<16x64xbf16, #tpu.memory_space<vmem_shared>>) dst(%dma_wait3A_123 : memref<16x64xbf16, #tpu.memory_space<hbm>>)
        tpu.yield
      }) : () -> ()
      %run_scoped3A_95 = arith.constant 1 : i32
      "tpu.region"() ({
        %run_scoped3A_96 = tpu.sem_alloc : memref<!tpu.dma_semaphore, #tpu.memory_space<semaphore_mem>>
        %dma_start3A_97 = arith.constant 0 : i32
        %dma_start3A_98 = arith.constant 0 : i32
        %dma_start3A_99 = arith.constant 0 : i32
        %dma_start3A_100 = tpu.memref_slice %arg6[%arg0, %dma_start3A_97, %dma_start3A_98, %dma_start3A_99] : memref<2x2x10008x64xbf16, #tpu.memory_space<hbm>> -> memref<1x2x10008x64xbf16, #tpu.memory_space<hbm>>
        %dma_start3A_101 = tpu.memref_squeeze %dma_start3A_100 : memref<1x2x10008x64xbf16, #tpu.memory_space<hbm>> -> memref<2x10008x64xbf16, #tpu.memory_space<hbm>>
        %dma_start3A_102 = arith.constant 0 : i32
        %dma_start3A_103 = arith.constant 0 : i32
        %dma_start3A_104 = tpu.memref_slice %dma_start3A_101[%run_scoped3A_95, %dma_start3A_102, %dma_start3A_103] : memref<2x10008x64xbf16, #tpu.memory_space<hbm>> -> memref<1x10008x64xbf16, #tpu.memory_space<hbm>>
        %dma_start3A_105 = tpu.memref_squeeze %dma_start3A_104 : memref<1x10008x64xbf16, #tpu.memory_space<hbm>> -> memref<10008x64xbf16, #tpu.memory_space<hbm>>
        %dma_start3A_106 = arith.constant 9984 : i32
        %dma_start3A_107 = arith.constant 0 : i32
        %dma_start3A_108 = tpu.memref_slice %dma_start3A_105[%dma_start3A_106, %dma_start3A_107] : memref<10008x64xbf16, #tpu.memory_space<hbm>> -> memref<16x64xbf16, #tpu.memory_space<hbm>>
        %dma_start3A_109 = arith.constant 9984 : i32
        %dma_start3A_110 = arith.constant 0 : i32
        %dma_start3A_111 = tpu.memref_slice %arg22[%dma_start3A_109, %dma_start3A_110] : memref<10008x64xbf16, #tpu.memory_space<vmem_shared>> -> memref<16x64xbf16, #tpu.memory_space<vmem_shared>>
        tpu.enqueue_dma source(%dma_start3A_111 : memref<16x64xbf16, #tpu.memory_space<vmem_shared>>) target(%dma_start3A_108 : memref<16x64xbf16, #tpu.memory_space<hbm>>) target_semaphore(%run_scoped3A_96 : memref<!tpu.dma_semaphore, #tpu.memory_space<semaphore_mem>>)
        %dma_wait3A_112 = arith.constant 0 : i32
        %dma_wait3A_113 = arith.constant 0 : i32
        %dma_wait3A_114 = arith.constant 0 : i32
        %dma_wait3A_115 = tpu.memref_slice %arg6[%arg0, %dma_wait3A_112, %dma_wait3A_113, %dma_wait3A_114] : memref<2x2x10008x64xbf16, #tpu.memory_space<hbm>> -> memref<1x2x10008x64xbf16, #tpu.memory_space<hbm>>
        %dma_wait3A_116 = tpu.memref_squeeze %dma_wait3A_115 : memref<1x2x10008x64xbf16, #tpu.memory_space<hbm>> -> memref<2x10008x64xbf16, #tpu.memory_space<hbm>>
        %dma_wait3A_117 = arith.constant 0 : i32
        %dma_wait3A_118 = arith.constant 0 : i32
        %dma_wait3A_119 = tpu.memref_slice %dma_wait3A_116[%run_scoped3A_95, %dma_wait3A_117, %dma_wait3A_118] : memref<2x10008x64xbf16, #tpu.memory_space<hbm>> -> memref<1x10008x64xbf16, #tpu.memory_space<hbm>>
        %dma_wait3A_120 = tpu.memref_squeeze %dma_wait3A_119 : memref<1x10008x64xbf16, #tpu.memory_space<hbm>> -> memref<10008x64xbf16, #tpu.memory_space<hbm>>
        %dma_wait3A_121 = arith.constant 9984 : i32
        %dma_wait3A_122 = arith.constant 0 : i32
        %dma_wait3A_123 = tpu.memref_slice %dma_wait3A_120[%dma_wait3A_121, %dma_wait3A_122] : memref<10008x64xbf16, #tpu.memory_space<hbm>> -> memref<16x64xbf16, #tpu.memory_space<hbm>>
        %dma_wait3A_124 = arith.constant 9984 : i32
        %dma_wait3A_125 = arith.constant 0 : i32
        %dma_wait3A_126 = tpu.memref_slice %arg22[%dma_wait3A_124, %dma_wait3A_125] : memref<10008x64xbf16, #tpu.memory_space<vmem_shared>> -> memref<16x64xbf16, #tpu.memory_space<vmem_shared>>
        tpu.wait_dma2 semaphore(%run_scoped3A_96 : memref<!tpu.dma_semaphore, #tpu.memory_space<semaphore_mem>>) src(%dma_wait3A_126 : memref<16x64xbf16, #tpu.memory_space<vmem_shared>>) dst(%dma_wait3A_123 : memref<16x64xbf16, #tpu.memory_space<hbm>>)
        tpu.yield
      }) : () -> ()
    } else {
    }
    return
  }
}

module attributes {stable_mosaic.version = 14 : i64} {
  func.func @_gru_body(%arg0: i32, %arg1: memref<8x2000x128xf32, #tpu.memory_space<vmem>>, %arg2: memref<128x384xf32, #tpu.memory_space<vmem>>, %arg3: memref<128x384xf32, #tpu.memory_space<vmem>>, %arg4: memref<1x384xf32, #tpu.memory_space<vmem>>, %arg5: memref<1x384xf32, #tpu.memory_space<vmem>>, %arg6: memref<128x128xf32, #tpu.memory_space<vmem>>, %arg7: memref<2000x2xf32, #tpu.memory_space<vmem>>, %arg8: memref<2x2000x64xbf16, #tpu.memory_space<vmem>>, %arg9: memref<2000x1xf32, #tpu.memory_space<vmem>>) attributes {dimension_semantics = [#tpu.dimension_semantics<arbitrary>], iteration_bounds = array<i64: 5>, scalar_prefetch = 0 : i64, scratch_operands = 0 : i64, tpu.core_type = #tpu.core_type<tc>, window_params = [{transform_indices = @transform_0, window_bounds = array<i64: 8, 2000, 128>}, {pipeline_mode = #tpu.pipeline_mode<synchronous>, transform_indices = @transform_1, window_bounds = array<i64: 128, 384>}, {pipeline_mode = #tpu.pipeline_mode<synchronous>, transform_indices = @transform_2, window_bounds = array<i64: 128, 384>}, {pipeline_mode = #tpu.pipeline_mode<synchronous>, transform_indices = @transform_3, window_bounds = array<i64: 1, 384>}, {pipeline_mode = #tpu.pipeline_mode<synchronous>, transform_indices = @transform_4, window_bounds = array<i64: 1, 384>}, {pipeline_mode = #tpu.pipeline_mode<synchronous>, transform_indices = @transform_5, window_bounds = array<i64: 128, 128>}, {transform_indices = @transform_6, window_bounds = array<i64: 2000, 2>}, {transform_indices = @transform_7, window_bounds = array<i64: 2, 2000, 64>}, {transform_indices = @transform_8, window_bounds = array<i64: 2000, 1>}]} {
    %get3A = arith.constant 0 : index
    %get3A_0 = arith.constant 0 : index
    %get3A_1 = vector.load %arg2[%get3A, %get3A_0] : memref<128x384xf32, #tpu.memory_space<vmem>>, vector<128x384xf32>
    %get3A_2 = arith.constant 0 : index
    %get3A_3 = arith.constant 0 : index
    %get3A_4 = vector.load %arg3[%get3A_2, %get3A_3] : memref<128x384xf32, #tpu.memory_space<vmem>>, vector<128x384xf32>
    %get3A_5 = arith.constant 0 : index
    %get3A_6 = arith.constant 0 : index
    %get3A_7 = vector.load %arg4[%get3A_5, %get3A_6] : memref<1x384xf32, #tpu.memory_space<vmem>>, vector<1x384xf32>
    %get3A_8 = arith.constant 0 : index
    %get3A_9 = arith.constant 0 : index
    %get3A_10 = vector.load %arg5[%get3A_8, %get3A_9] : memref<1x384xf32, #tpu.memory_space<vmem>>, vector<1x384xf32>
    %broadcast_in_dim3A = arith.constant 0.000000e+00 : f32
    %broadcast_in_dim3A_11 = vector.broadcast %broadcast_in_dim3A : f32 to vector<2000x128xf32>
    %get3A_12 = arith.constant 0 : index
    %get3A_13 = arith.constant 0 : index
    %get3A_14 = arith.constant 0 : index
    %get3A_15 = vector.load %arg1[%get3A_12, %get3A_13, %get3A_14] : memref<8x2000x128xf32, #tpu.memory_space<vmem>>, vector<1x2000x128xf32>
    %get3A_16 = vector.shape_cast %get3A_15 : vector<1x2000x128xf32> to vector<2000x128xf32>
    %dot_general3A = arith.constant dense<0.000000e+00> : vector<2000x384xf32>
    %dot_general3A_17 = tpu.matmul %get3A_16, %get3A_1, %dot_general3A {dimension_numbers = #tpu.dot_dimension_numbers<[1], [0], [0], [1], [0, 0, 1, 1], [], []>, transpose_lhs_hint = false} : vector<2000x128xf32>, vector<128x384xf32>, vector<2000x384xf32> -> vector<2000x384xf32>
    %add3A = vector.broadcast %get3A_7 : vector<1x384xf32> to vector<2000x384xf32>
    %add3A_18 = arith.addf %dot_general3A_17, %add3A : vector<2000x384xf32>
    %dot_general3A_19 = arith.constant dense<0.000000e+00> : vector<2000x384xf32>
    %dot_general3A_20 = tpu.matmul %broadcast_in_dim3A_11, %get3A_4, %dot_general3A_19 {dimension_numbers = #tpu.dot_dimension_numbers<[1], [0], [0], [1], [0, 0, 1, 1], [], []>, transpose_lhs_hint = false} : vector<2000x128xf32>, vector<128x384xf32>, vector<2000x384xf32> -> vector<2000x384xf32>
    %add3A_21 = vector.broadcast %get3A_10 : vector<1x384xf32> to vector<2000x384xf32>
    %add3A_22 = arith.addf %dot_general3A_20, %add3A_21 : vector<2000x384xf32>
    %slice3A = vector.extract_strided_slice %add3A_18 {offsets = [0, 0], sizes = [2000, 128], strides = [1, 1]} : vector<2000x384xf32> to vector<2000x128xf32>
    %slice3A_23 = vector.extract_strided_slice %add3A_22 {offsets = [0, 0], sizes = [2000, 128], strides = [1, 1]} : vector<2000x384xf32> to vector<2000x128xf32>
    %add3A_24 = arith.addf %slice3A, %slice3A_23 : vector<2000x128xf32>
    %logistic3A = arith.negf %add3A_24 : vector<2000x128xf32>
    %logistic3A_25 = math.exp %logistic3A : vector<2000x128xf32>
    %logistic3A_26 = arith.constant 1.000000e+00 : f32
    %logistic3A_27 = vector.broadcast %logistic3A_26 : f32 to vector<2000x128xf32>
    %logistic3A_28 = arith.addf %logistic3A_27, %logistic3A_25 : vector<2000x128xf32>
    %logistic3A_29 = arith.divf %logistic3A_27, %logistic3A_28 : vector<2000x128xf32>
    %slice3A_30 = vector.extract_strided_slice %add3A_18 {offsets = [0, 128], sizes = [2000, 128], strides = [1, 1]} : vector<2000x384xf32> to vector<2000x128xf32>
    %slice3A_31 = vector.extract_strided_slice %add3A_22 {offsets = [0, 128], sizes = [2000, 128], strides = [1, 1]} : vector<2000x384xf32> to vector<2000x128xf32>
    %add3A_32 = arith.addf %slice3A_30, %slice3A_31 : vector<2000x128xf32>
    %logistic3A_33 = arith.negf %add3A_32 : vector<2000x128xf32>
    %logistic3A_34 = math.exp %logistic3A_33 : vector<2000x128xf32>
    %logistic3A_35 = arith.constant 1.000000e+00 : f32
    %logistic3A_36 = vector.broadcast %logistic3A_35 : f32 to vector<2000x128xf32>
    %logistic3A_37 = arith.addf %logistic3A_36, %logistic3A_34 : vector<2000x128xf32>
    %logistic3A_38 = arith.divf %logistic3A_36, %logistic3A_37 : vector<2000x128xf32>
    %slice3A_39 = vector.extract_strided_slice %add3A_18 {offsets = [0, 256], sizes = [2000, 128], strides = [1, 1]} : vector<2000x384xf32> to vector<2000x128xf32>
    %slice3A_40 = vector.extract_strided_slice %add3A_22 {offsets = [0, 256], sizes = [2000, 128], strides = [1, 1]} : vector<2000x384xf32> to vector<2000x128xf32>
    %mul3A = arith.mulf %logistic3A_29, %slice3A_40 : vector<2000x128xf32>
    %add3A_41 = arith.addf %slice3A_39, %mul3A : vector<2000x128xf32>
    %tanh3A = math.tanh %add3A_41 : vector<2000x128xf32>
    %sub3A = arith.constant 1.000000e+00 : f32
    %sub3A_42 = vector.broadcast %sub3A : f32 to vector<2000x128xf32>
    %sub3A_43 = arith.subf %sub3A_42, %logistic3A_38 : vector<2000x128xf32>
    %mul3A_44 = arith.mulf %sub3A_43, %tanh3A : vector<2000x128xf32>
    %mul3A_45 = arith.mulf %logistic3A_38, %broadcast_in_dim3A_11 : vector<2000x128xf32>
    %add3A_46 = arith.addf %mul3A_44, %mul3A_45 : vector<2000x128xf32>
    %get3A_47 = arith.constant 1 : index
    %get3A_48 = arith.constant 0 : index
    %get3A_49 = arith.constant 0 : index
    %get3A_50 = vector.load %arg1[%get3A_47, %get3A_48, %get3A_49] : memref<8x2000x128xf32, #tpu.memory_space<vmem>>, vector<1x2000x128xf32>
    %get3A_51 = vector.shape_cast %get3A_50 : vector<1x2000x128xf32> to vector<2000x128xf32>
    %dot_general3A_52 = arith.constant dense<0.000000e+00> : vector<2000x384xf32>
    %dot_general3A_53 = tpu.matmul %get3A_51, %get3A_1, %dot_general3A_52 {dimension_numbers = #tpu.dot_dimension_numbers<[1], [0], [0], [1], [0, 0, 1, 1], [], []>, transpose_lhs_hint = false} : vector<2000x128xf32>, vector<128x384xf32>, vector<2000x384xf32> -> vector<2000x384xf32>
    %add3A_54 = vector.broadcast %get3A_7 : vector<1x384xf32> to vector<2000x384xf32>
    %add3A_55 = arith.addf %dot_general3A_53, %add3A_54 : vector<2000x384xf32>
    %dot_general3A_56 = arith.constant dense<0.000000e+00> : vector<2000x384xf32>
    %dot_general3A_57 = tpu.matmul %add3A_46, %get3A_4, %dot_general3A_56 {dimension_numbers = #tpu.dot_dimension_numbers<[1], [0], [0], [1], [0, 0, 1, 1], [], []>, transpose_lhs_hint = false} : vector<2000x128xf32>, vector<128x384xf32>, vector<2000x384xf32> -> vector<2000x384xf32>
    %add3A_58 = vector.broadcast %get3A_10 : vector<1x384xf32> to vector<2000x384xf32>
    %add3A_59 = arith.addf %dot_general3A_57, %add3A_58 : vector<2000x384xf32>
    %slice3A_60 = vector.extract_strided_slice %add3A_55 {offsets = [0, 0], sizes = [2000, 128], strides = [1, 1]} : vector<2000x384xf32> to vector<2000x128xf32>
    %slice3A_61 = vector.extract_strided_slice %add3A_59 {offsets = [0, 0], sizes = [2000, 128], strides = [1, 1]} : vector<2000x384xf32> to vector<2000x128xf32>
    %add3A_62 = arith.addf %slice3A_60, %slice3A_61 : vector<2000x128xf32>
    %logistic3A_63 = arith.negf %add3A_62 : vector<2000x128xf32>
    %logistic3A_64 = math.exp %logistic3A_63 : vector<2000x128xf32>
    %logistic3A_65 = arith.constant 1.000000e+00 : f32
    %logistic3A_66 = vector.broadcast %logistic3A_65 : f32 to vector<2000x128xf32>
    %logistic3A_67 = arith.addf %logistic3A_66, %logistic3A_64 : vector<2000x128xf32>
    %logistic3A_68 = arith.divf %logistic3A_66, %logistic3A_67 : vector<2000x128xf32>
    %slice3A_69 = vector.extract_strided_slice %add3A_55 {offsets = [0, 128], sizes = [2000, 128], strides = [1, 1]} : vector<2000x384xf32> to vector<2000x128xf32>
    %slice3A_70 = vector.extract_strided_slice %add3A_59 {offsets = [0, 128], sizes = [2000, 128], strides = [1, 1]} : vector<2000x384xf32> to vector<2000x128xf32>
    %add3A_71 = arith.addf %slice3A_69, %slice3A_70 : vector<2000x128xf32>
    %logistic3A_72 = arith.negf %add3A_71 : vector<2000x128xf32>
    %logistic3A_73 = math.exp %logistic3A_72 : vector<2000x128xf32>
    %logistic3A_74 = arith.constant 1.000000e+00 : f32
    %logistic3A_75 = vector.broadcast %logistic3A_74 : f32 to vector<2000x128xf32>
    %logistic3A_76 = arith.addf %logistic3A_75, %logistic3A_73 : vector<2000x128xf32>
    %logistic3A_77 = arith.divf %logistic3A_75, %logistic3A_76 : vector<2000x128xf32>
    %slice3A_78 = vector.extract_strided_slice %add3A_55 {offsets = [0, 256], sizes = [2000, 128], strides = [1, 1]} : vector<2000x384xf32> to vector<2000x128xf32>
    %slice3A_79 = vector.extract_strided_slice %add3A_59 {offsets = [0, 256], sizes = [2000, 128], strides = [1, 1]} : vector<2000x384xf32> to vector<2000x128xf32>
    %mul3A_80 = arith.mulf %logistic3A_68, %slice3A_79 : vector<2000x128xf32>
    %add3A_81 = arith.addf %slice3A_78, %mul3A_80 : vector<2000x128xf32>
    %tanh3A_82 = math.tanh %add3A_81 : vector<2000x128xf32>
    %sub3A_83 = arith.constant 1.000000e+00 : f32
    %sub3A_84 = vector.broadcast %sub3A_83 : f32 to vector<2000x128xf32>
    %sub3A_85 = arith.subf %sub3A_84, %logistic3A_77 : vector<2000x128xf32>
    %mul3A_86 = arith.mulf %sub3A_85, %tanh3A_82 : vector<2000x128xf32>
    %mul3A_87 = arith.mulf %logistic3A_77, %add3A_46 : vector<2000x128xf32>
    %add3A_88 = arith.addf %mul3A_86, %mul3A_87 : vector<2000x128xf32>
    %get3A_89 = arith.constant 2 : index
    %get3A_90 = arith.constant 0 : index
    %get3A_91 = arith.constant 0 : index
    %get3A_92 = vector.load %arg1[%get3A_89, %get3A_90, %get3A_91] : memref<8x2000x128xf32, #tpu.memory_space<vmem>>, vector<1x2000x128xf32>
    %get3A_93 = vector.shape_cast %get3A_92 : vector<1x2000x128xf32> to vector<2000x128xf32>
    %dot_general3A_94 = arith.constant dense<0.000000e+00> : vector<2000x384xf32>
    %dot_general3A_95 = tpu.matmul %get3A_93, %get3A_1, %dot_general3A_94 {dimension_numbers = #tpu.dot_dimension_numbers<[1], [0], [0], [1], [0, 0, 1, 1], [], []>, transpose_lhs_hint = false} : vector<2000x128xf32>, vector<128x384xf32>, vector<2000x384xf32> -> vector<2000x384xf32>
    %add3A_96 = vector.broadcast %get3A_7 : vector<1x384xf32> to vector<2000x384xf32>
    %add3A_97 = arith.addf %dot_general3A_95, %add3A_96 : vector<2000x384xf32>
    %dot_general3A_98 = arith.constant dense<0.000000e+00> : vector<2000x384xf32>
    %dot_general3A_99 = tpu.matmul %add3A_88, %get3A_4, %dot_general3A_98 {dimension_numbers = #tpu.dot_dimension_numbers<[1], [0], [0], [1], [0, 0, 1, 1], [], []>, transpose_lhs_hint = false} : vector<2000x128xf32>, vector<128x384xf32>, vector<2000x384xf32> -> vector<2000x384xf32>
    %add3A_100 = vector.broadcast %get3A_10 : vector<1x384xf32> to vector<2000x384xf32>
    %add3A_101 = arith.addf %dot_general3A_99, %add3A_100 : vector<2000x384xf32>
    %slice3A_102 = vector.extract_strided_slice %add3A_97 {offsets = [0, 0], sizes = [2000, 128], strides = [1, 1]} : vector<2000x384xf32> to vector<2000x128xf32>
    %slice3A_103 = vector.extract_strided_slice %add3A_101 {offsets = [0, 0], sizes = [2000, 128], strides = [1, 1]} : vector<2000x384xf32> to vector<2000x128xf32>
    %add3A_104 = arith.addf %slice3A_102, %slice3A_103 : vector<2000x128xf32>
    %logistic3A_105 = arith.negf %add3A_104 : vector<2000x128xf32>
    %logistic3A_106 = math.exp %logistic3A_105 : vector<2000x128xf32>
    %logistic3A_107 = arith.constant 1.000000e+00 : f32
    %logistic3A_108 = vector.broadcast %logistic3A_107 : f32 to vector<2000x128xf32>
    %logistic3A_109 = arith.addf %logistic3A_108, %logistic3A_106 : vector<2000x128xf32>
    %logistic3A_110 = arith.divf %logistic3A_108, %logistic3A_109 : vector<2000x128xf32>
    %slice3A_111 = vector.extract_strided_slice %add3A_97 {offsets = [0, 128], sizes = [2000, 128], strides = [1, 1]} : vector<2000x384xf32> to vector<2000x128xf32>
    %slice3A_112 = vector.extract_strided_slice %add3A_101 {offsets = [0, 128], sizes = [2000, 128], strides = [1, 1]} : vector<2000x384xf32> to vector<2000x128xf32>
    %add3A_113 = arith.addf %slice3A_111, %slice3A_112 : vector<2000x128xf32>
    %logistic3A_114 = arith.negf %add3A_113 : vector<2000x128xf32>
    %logistic3A_115 = math.exp %logistic3A_114 : vector<2000x128xf32>
    %logistic3A_116 = arith.constant 1.000000e+00 : f32
    %logistic3A_117 = vector.broadcast %logistic3A_116 : f32 to vector<2000x128xf32>
    %logistic3A_118 = arith.addf %logistic3A_117, %logistic3A_115 : vector<2000x128xf32>
    %logistic3A_119 = arith.divf %logistic3A_117, %logistic3A_118 : vector<2000x128xf32>
    %slice3A_120 = vector.extract_strided_slice %add3A_97 {offsets = [0, 256], sizes = [2000, 128], strides = [1, 1]} : vector<2000x384xf32> to vector<2000x128xf32>
    %slice3A_121 = vector.extract_strided_slice %add3A_101 {offsets = [0, 256], sizes = [2000, 128], strides = [1, 1]} : vector<2000x384xf32> to vector<2000x128xf32>
    %mul3A_122 = arith.mulf %logistic3A_110, %slice3A_121 : vector<2000x128xf32>
    %add3A_123 = arith.addf %slice3A_120, %mul3A_122 : vector<2000x128xf32>
    %tanh3A_124 = math.tanh %add3A_123 : vector<2000x128xf32>
    %sub3A_125 = arith.constant 1.000000e+00 : f32
    %sub3A_126 = vector.broadcast %sub3A_125 : f32 to vector<2000x128xf32>
    %sub3A_127 = arith.subf %sub3A_126, %logistic3A_119 : vector<2000x128xf32>
    %mul3A_128 = arith.mulf %sub3A_127, %tanh3A_124 : vector<2000x128xf32>
    %mul3A_129 = arith.mulf %logistic3A_119, %add3A_88 : vector<2000x128xf32>
    %add3A_130 = arith.addf %mul3A_128, %mul3A_129 : vector<2000x128xf32>
    %get3A_131 = arith.constant 3 : index
    %get3A_132 = arith.constant 0 : index
    %get3A_133 = arith.constant 0 : index
    %get3A_134 = vector.load %arg1[%get3A_131, %get3A_132, %get3A_133] : memref<8x2000x128xf32, #tpu.memory_space<vmem>>, vector<1x2000x128xf32>
    %get3A_135 = vector.shape_cast %get3A_134 : vector<1x2000x128xf32> to vector<2000x128xf32>
    %dot_general3A_136 = arith.constant dense<0.000000e+00> : vector<2000x384xf32>
    %dot_general3A_137 = tpu.matmul %get3A_135, %get3A_1, %dot_general3A_136 {dimension_numbers = #tpu.dot_dimension_numbers<[1], [0], [0], [1], [0, 0, 1, 1], [], []>, transpose_lhs_hint = false} : vector<2000x128xf32>, vector<128x384xf32>, vector<2000x384xf32> -> vector<2000x384xf32>
    %add3A_138 = vector.broadcast %get3A_7 : vector<1x384xf32> to vector<2000x384xf32>
    %add3A_139 = arith.addf %dot_general3A_137, %add3A_138 : vector<2000x384xf32>
    %dot_general3A_140 = arith.constant dense<0.000000e+00> : vector<2000x384xf32>
    %dot_general3A_141 = tpu.matmul %add3A_130, %get3A_4, %dot_general3A_140 {dimension_numbers = #tpu.dot_dimension_numbers<[1], [0], [0], [1], [0, 0, 1, 1], [], []>, transpose_lhs_hint = false} : vector<2000x128xf32>, vector<128x384xf32>, vector<2000x384xf32> -> vector<2000x384xf32>
    %add3A_142 = vector.broadcast %get3A_10 : vector<1x384xf32> to vector<2000x384xf32>
    %add3A_143 = arith.addf %dot_general3A_141, %add3A_142 : vector<2000x384xf32>
    %slice3A_144 = vector.extract_strided_slice %add3A_139 {offsets = [0, 0], sizes = [2000, 128], strides = [1, 1]} : vector<2000x384xf32> to vector<2000x128xf32>
    %slice3A_145 = vector.extract_strided_slice %add3A_143 {offsets = [0, 0], sizes = [2000, 128], strides = [1, 1]} : vector<2000x384xf32> to vector<2000x128xf32>
    %add3A_146 = arith.addf %slice3A_144, %slice3A_145 : vector<2000x128xf32>
    %logistic3A_147 = arith.negf %add3A_146 : vector<2000x128xf32>
    %logistic3A_148 = math.exp %logistic3A_147 : vector<2000x128xf32>
    %logistic3A_149 = arith.constant 1.000000e+00 : f32
    %logistic3A_150 = vector.broadcast %logistic3A_149 : f32 to vector<2000x128xf32>
    %logistic3A_151 = arith.addf %logistic3A_150, %logistic3A_148 : vector<2000x128xf32>
    %logistic3A_152 = arith.divf %logistic3A_150, %logistic3A_151 : vector<2000x128xf32>
    %slice3A_153 = vector.extract_strided_slice %add3A_139 {offsets = [0, 128], sizes = [2000, 128], strides = [1, 1]} : vector<2000x384xf32> to vector<2000x128xf32>
    %slice3A_154 = vector.extract_strided_slice %add3A_143 {offsets = [0, 128], sizes = [2000, 128], strides = [1, 1]} : vector<2000x384xf32> to vector<2000x128xf32>
    %add3A_155 = arith.addf %slice3A_153, %slice3A_154 : vector<2000x128xf32>
    %logistic3A_156 = arith.negf %add3A_155 : vector<2000x128xf32>
    %logistic3A_157 = math.exp %logistic3A_156 : vector<2000x128xf32>
    %logistic3A_158 = arith.constant 1.000000e+00 : f32
    %logistic3A_159 = vector.broadcast %logistic3A_158 : f32 to vector<2000x128xf32>
    %logistic3A_160 = arith.addf %logistic3A_159, %logistic3A_157 : vector<2000x128xf32>
    %logistic3A_161 = arith.divf %logistic3A_159, %logistic3A_160 : vector<2000x128xf32>
    %slice3A_162 = vector.extract_strided_slice %add3A_139 {offsets = [0, 256], sizes = [2000, 128], strides = [1, 1]} : vector<2000x384xf32> to vector<2000x128xf32>
    %slice3A_163 = vector.extract_strided_slice %add3A_143 {offsets = [0, 256], sizes = [2000, 128], strides = [1, 1]} : vector<2000x384xf32> to vector<2000x128xf32>
    %mul3A_164 = arith.mulf %logistic3A_152, %slice3A_163 : vector<2000x128xf32>
    %add3A_165 = arith.addf %slice3A_162, %mul3A_164 : vector<2000x128xf32>
    %tanh3A_166 = math.tanh %add3A_165 : vector<2000x128xf32>
    %sub3A_167 = arith.constant 1.000000e+00 : f32
    %sub3A_168 = vector.broadcast %sub3A_167 : f32 to vector<2000x128xf32>
    %sub3A_169 = arith.subf %sub3A_168, %logistic3A_161 : vector<2000x128xf32>
    %mul3A_170 = arith.mulf %sub3A_169, %tanh3A_166 : vector<2000x128xf32>
    %mul3A_171 = arith.mulf %logistic3A_161, %add3A_130 : vector<2000x128xf32>
    %add3A_172 = arith.addf %mul3A_170, %mul3A_171 : vector<2000x128xf32>
    %get3A_173 = arith.constant 4 : index
    %get3A_174 = arith.constant 0 : index
    %get3A_175 = arith.constant 0 : index
    %get3A_176 = vector.load %arg1[%get3A_173, %get3A_174, %get3A_175] : memref<8x2000x128xf32, #tpu.memory_space<vmem>>, vector<1x2000x128xf32>
    %get3A_177 = vector.shape_cast %get3A_176 : vector<1x2000x128xf32> to vector<2000x128xf32>
    %dot_general3A_178 = arith.constant dense<0.000000e+00> : vector<2000x384xf32>
    %dot_general3A_179 = tpu.matmul %get3A_177, %get3A_1, %dot_general3A_178 {dimension_numbers = #tpu.dot_dimension_numbers<[1], [0], [0], [1], [0, 0, 1, 1], [], []>, transpose_lhs_hint = false} : vector<2000x128xf32>, vector<128x384xf32>, vector<2000x384xf32> -> vector<2000x384xf32>
    %add3A_180 = vector.broadcast %get3A_7 : vector<1x384xf32> to vector<2000x384xf32>
    %add3A_181 = arith.addf %dot_general3A_179, %add3A_180 : vector<2000x384xf32>
    %dot_general3A_182 = arith.constant dense<0.000000e+00> : vector<2000x384xf32>
    %dot_general3A_183 = tpu.matmul %add3A_172, %get3A_4, %dot_general3A_182 {dimension_numbers = #tpu.dot_dimension_numbers<[1], [0], [0], [1], [0, 0, 1, 1], [], []>, transpose_lhs_hint = false} : vector<2000x128xf32>, vector<128x384xf32>, vector<2000x384xf32> -> vector<2000x384xf32>
    %add3A_184 = vector.broadcast %get3A_10 : vector<1x384xf32> to vector<2000x384xf32>
    %add3A_185 = arith.addf %dot_general3A_183, %add3A_184 : vector<2000x384xf32>
    %slice3A_186 = vector.extract_strided_slice %add3A_181 {offsets = [0, 0], sizes = [2000, 128], strides = [1, 1]} : vector<2000x384xf32> to vector<2000x128xf32>
    %slice3A_187 = vector.extract_strided_slice %add3A_185 {offsets = [0, 0], sizes = [2000, 128], strides = [1, 1]} : vector<2000x384xf32> to vector<2000x128xf32>
    %add3A_188 = arith.addf %slice3A_186, %slice3A_187 : vector<2000x128xf32>
    %logistic3A_189 = arith.negf %add3A_188 : vector<2000x128xf32>
    %logistic3A_190 = math.exp %logistic3A_189 : vector<2000x128xf32>
    %logistic3A_191 = arith.constant 1.000000e+00 : f32
    %logistic3A_192 = vector.broadcast %logistic3A_191 : f32 to vector<2000x128xf32>
    %logistic3A_193 = arith.addf %logistic3A_192, %logistic3A_190 : vector<2000x128xf32>
    %logistic3A_194 = arith.divf %logistic3A_192, %logistic3A_193 : vector<2000x128xf32>
    %slice3A_195 = vector.extract_strided_slice %add3A_181 {offsets = [0, 128], sizes = [2000, 128], strides = [1, 1]} : vector<2000x384xf32> to vector<2000x128xf32>
    %slice3A_196 = vector.extract_strided_slice %add3A_185 {offsets = [0, 128], sizes = [2000, 128], strides = [1, 1]} : vector<2000x384xf32> to vector<2000x128xf32>
    %add3A_197 = arith.addf %slice3A_195, %slice3A_196 : vector<2000x128xf32>
    %logistic3A_198 = arith.negf %add3A_197 : vector<2000x128xf32>
    %logistic3A_199 = math.exp %logistic3A_198 : vector<2000x128xf32>
    %logistic3A_200 = arith.constant 1.000000e+00 : f32
    %logistic3A_201 = vector.broadcast %logistic3A_200 : f32 to vector<2000x128xf32>
    %logistic3A_202 = arith.addf %logistic3A_201, %logistic3A_199 : vector<2000x128xf32>
    %logistic3A_203 = arith.divf %logistic3A_201, %logistic3A_202 : vector<2000x128xf32>
    %slice3A_204 = vector.extract_strided_slice %add3A_181 {offsets = [0, 256], sizes = [2000, 128], strides = [1, 1]} : vector<2000x384xf32> to vector<2000x128xf32>
    %slice3A_205 = vector.extract_strided_slice %add3A_185 {offsets = [0, 256], sizes = [2000, 128], strides = [1, 1]} : vector<2000x384xf32> to vector<2000x128xf32>
    %mul3A_206 = arith.mulf %logistic3A_194, %slice3A_205 : vector<2000x128xf32>
    %add3A_207 = arith.addf %slice3A_204, %mul3A_206 : vector<2000x128xf32>
    %tanh3A_208 = math.tanh %add3A_207 : vector<2000x128xf32>
    %sub3A_209 = arith.constant 1.000000e+00 : f32
    %sub3A_210 = vector.broadcast %sub3A_209 : f32 to vector<2000x128xf32>
    %sub3A_211 = arith.subf %sub3A_210, %logistic3A_203 : vector<2000x128xf32>
    %mul3A_212 = arith.mulf %sub3A_211, %tanh3A_208 : vector<2000x128xf32>
    %mul3A_213 = arith.mulf %logistic3A_203, %add3A_172 : vector<2000x128xf32>
    %add3A_214 = arith.addf %mul3A_212, %mul3A_213 : vector<2000x128xf32>
    %get3A_215 = arith.constant 5 : index
    %get3A_216 = arith.constant 0 : index
    %get3A_217 = arith.constant 0 : index
    %get3A_218 = vector.load %arg1[%get3A_215, %get3A_216, %get3A_217] : memref<8x2000x128xf32, #tpu.memory_space<vmem>>, vector<1x2000x128xf32>
    %get3A_219 = vector.shape_cast %get3A_218 : vector<1x2000x128xf32> to vector<2000x128xf32>
    %dot_general3A_220 = arith.constant dense<0.000000e+00> : vector<2000x384xf32>
    %dot_general3A_221 = tpu.matmul %get3A_219, %get3A_1, %dot_general3A_220 {dimension_numbers = #tpu.dot_dimension_numbers<[1], [0], [0], [1], [0, 0, 1, 1], [], []>, transpose_lhs_hint = false} : vector<2000x128xf32>, vector<128x384xf32>, vector<2000x384xf32> -> vector<2000x384xf32>
    %add3A_222 = vector.broadcast %get3A_7 : vector<1x384xf32> to vector<2000x384xf32>
    %add3A_223 = arith.addf %dot_general3A_221, %add3A_222 : vector<2000x384xf32>
    %dot_general3A_224 = arith.constant dense<0.000000e+00> : vector<2000x384xf32>
    %dot_general3A_225 = tpu.matmul %add3A_214, %get3A_4, %dot_general3A_224 {dimension_numbers = #tpu.dot_dimension_numbers<[1], [0], [0], [1], [0, 0, 1, 1], [], []>, transpose_lhs_hint = false} : vector<2000x128xf32>, vector<128x384xf32>, vector<2000x384xf32> -> vector<2000x384xf32>
    %add3A_226 = vector.broadcast %get3A_10 : vector<1x384xf32> to vector<2000x384xf32>
    %add3A_227 = arith.addf %dot_general3A_225, %add3A_226 : vector<2000x384xf32>
    %slice3A_228 = vector.extract_strided_slice %add3A_223 {offsets = [0, 0], sizes = [2000, 128], strides = [1, 1]} : vector<2000x384xf32> to vector<2000x128xf32>
    %slice3A_229 = vector.extract_strided_slice %add3A_227 {offsets = [0, 0], sizes = [2000, 128], strides = [1, 1]} : vector<2000x384xf32> to vector<2000x128xf32>
    %add3A_230 = arith.addf %slice3A_228, %slice3A_229 : vector<2000x128xf32>
    %logistic3A_231 = arith.negf %add3A_230 : vector<2000x128xf32>
    %logistic3A_232 = math.exp %logistic3A_231 : vector<2000x128xf32>
    %logistic3A_233 = arith.constant 1.000000e+00 : f32
    %logistic3A_234 = vector.broadcast %logistic3A_233 : f32 to vector<2000x128xf32>
    %logistic3A_235 = arith.addf %logistic3A_234, %logistic3A_232 : vector<2000x128xf32>
    %logistic3A_236 = arith.divf %logistic3A_234, %logistic3A_235 : vector<2000x128xf32>
    %slice3A_237 = vector.extract_strided_slice %add3A_223 {offsets = [0, 128], sizes = [2000, 128], strides = [1, 1]} : vector<2000x384xf32> to vector<2000x128xf32>
    %slice3A_238 = vector.extract_strided_slice %add3A_227 {offsets = [0, 128], sizes = [2000, 128], strides = [1, 1]} : vector<2000x384xf32> to vector<2000x128xf32>
    %add3A_239 = arith.addf %slice3A_237, %slice3A_238 : vector<2000x128xf32>
    %logistic3A_240 = arith.negf %add3A_239 : vector<2000x128xf32>
    %logistic3A_241 = math.exp %logistic3A_240 : vector<2000x128xf32>
    %logistic3A_242 = arith.constant 1.000000e+00 : f32
    %logistic3A_243 = vector.broadcast %logistic3A_242 : f32 to vector<2000x128xf32>
    %logistic3A_244 = arith.addf %logistic3A_243, %logistic3A_241 : vector<2000x128xf32>
    %logistic3A_245 = arith.divf %logistic3A_243, %logistic3A_244 : vector<2000x128xf32>
    %slice3A_246 = vector.extract_strided_slice %add3A_223 {offsets = [0, 256], sizes = [2000, 128], strides = [1, 1]} : vector<2000x384xf32> to vector<2000x128xf32>
    %slice3A_247 = vector.extract_strided_slice %add3A_227 {offsets = [0, 256], sizes = [2000, 128], strides = [1, 1]} : vector<2000x384xf32> to vector<2000x128xf32>
    %mul3A_248 = arith.mulf %logistic3A_236, %slice3A_247 : vector<2000x128xf32>
    %add3A_249 = arith.addf %slice3A_246, %mul3A_248 : vector<2000x128xf32>
    %tanh3A_250 = math.tanh %add3A_249 : vector<2000x128xf32>
    %sub3A_251 = arith.constant 1.000000e+00 : f32
    %sub3A_252 = vector.broadcast %sub3A_251 : f32 to vector<2000x128xf32>
    %sub3A_253 = arith.subf %sub3A_252, %logistic3A_245 : vector<2000x128xf32>
    %mul3A_254 = arith.mulf %sub3A_253, %tanh3A_250 : vector<2000x128xf32>
    %mul3A_255 = arith.mulf %logistic3A_245, %add3A_214 : vector<2000x128xf32>
    %add3A_256 = arith.addf %mul3A_254, %mul3A_255 : vector<2000x128xf32>
    %get3A_257 = arith.constant 6 : index
    %get3A_258 = arith.constant 0 : index
    %get3A_259 = arith.constant 0 : index
    %get3A_260 = vector.load %arg1[%get3A_257, %get3A_258, %get3A_259] : memref<8x2000x128xf32, #tpu.memory_space<vmem>>, vector<1x2000x128xf32>
    %get3A_261 = vector.shape_cast %get3A_260 : vector<1x2000x128xf32> to vector<2000x128xf32>
    %dot_general3A_262 = arith.constant dense<0.000000e+00> : vector<2000x384xf32>
    %dot_general3A_263 = tpu.matmul %get3A_261, %get3A_1, %dot_general3A_262 {dimension_numbers = #tpu.dot_dimension_numbers<[1], [0], [0], [1], [0, 0, 1, 1], [], []>, transpose_lhs_hint = false} : vector<2000x128xf32>, vector<128x384xf32>, vector<2000x384xf32> -> vector<2000x384xf32>
    %add3A_264 = vector.broadcast %get3A_7 : vector<1x384xf32> to vector<2000x384xf32>
    %add3A_265 = arith.addf %dot_general3A_263, %add3A_264 : vector<2000x384xf32>
    %dot_general3A_266 = arith.constant dense<0.000000e+00> : vector<2000x384xf32>
    %dot_general3A_267 = tpu.matmul %add3A_256, %get3A_4, %dot_general3A_266 {dimension_numbers = #tpu.dot_dimension_numbers<[1], [0], [0], [1], [0, 0, 1, 1], [], []>, transpose_lhs_hint = false} : vector<2000x128xf32>, vector<128x384xf32>, vector<2000x384xf32> -> vector<2000x384xf32>
    %add3A_268 = vector.broadcast %get3A_10 : vector<1x384xf32> to vector<2000x384xf32>
    %add3A_269 = arith.addf %dot_general3A_267, %add3A_268 : vector<2000x384xf32>
    %slice3A_270 = vector.extract_strided_slice %add3A_265 {offsets = [0, 0], sizes = [2000, 128], strides = [1, 1]} : vector<2000x384xf32> to vector<2000x128xf32>
    %slice3A_271 = vector.extract_strided_slice %add3A_269 {offsets = [0, 0], sizes = [2000, 128], strides = [1, 1]} : vector<2000x384xf32> to vector<2000x128xf32>
    %add3A_272 = arith.addf %slice3A_270, %slice3A_271 : vector<2000x128xf32>
    %logistic3A_273 = arith.negf %add3A_272 : vector<2000x128xf32>
    %logistic3A_274 = math.exp %logistic3A_273 : vector<2000x128xf32>
    %logistic3A_275 = arith.constant 1.000000e+00 : f32
    %logistic3A_276 = vector.broadcast %logistic3A_275 : f32 to vector<2000x128xf32>
    %logistic3A_277 = arith.addf %logistic3A_276, %logistic3A_274 : vector<2000x128xf32>
    %logistic3A_278 = arith.divf %logistic3A_276, %logistic3A_277 : vector<2000x128xf32>
    %slice3A_279 = vector.extract_strided_slice %add3A_265 {offsets = [0, 128], sizes = [2000, 128], strides = [1, 1]} : vector<2000x384xf32> to vector<2000x128xf32>
    %slice3A_280 = vector.extract_strided_slice %add3A_269 {offsets = [0, 128], sizes = [2000, 128], strides = [1, 1]} : vector<2000x384xf32> to vector<2000x128xf32>
    %add3A_281 = arith.addf %slice3A_279, %slice3A_280 : vector<2000x128xf32>
    %logistic3A_282 = arith.negf %add3A_281 : vector<2000x128xf32>
    %logistic3A_283 = math.exp %logistic3A_282 : vector<2000x128xf32>
    %logistic3A_284 = arith.constant 1.000000e+00 : f32
    %logistic3A_285 = vector.broadcast %logistic3A_284 : f32 to vector<2000x128xf32>
    %logistic3A_286 = arith.addf %logistic3A_285, %logistic3A_283 : vector<2000x128xf32>
    %logistic3A_287 = arith.divf %logistic3A_285, %logistic3A_286 : vector<2000x128xf32>
    %slice3A_288 = vector.extract_strided_slice %add3A_265 {offsets = [0, 256], sizes = [2000, 128], strides = [1, 1]} : vector<2000x384xf32> to vector<2000x128xf32>
    %slice3A_289 = vector.extract_strided_slice %add3A_269 {offsets = [0, 256], sizes = [2000, 128], strides = [1, 1]} : vector<2000x384xf32> to vector<2000x128xf32>
    %mul3A_290 = arith.mulf %logistic3A_278, %slice3A_289 : vector<2000x128xf32>
    %add3A_291 = arith.addf %slice3A_288, %mul3A_290 : vector<2000x128xf32>
    %tanh3A_292 = math.tanh %add3A_291 : vector<2000x128xf32>
    %sub3A_293 = arith.constant 1.000000e+00 : f32
    %sub3A_294 = vector.broadcast %sub3A_293 : f32 to vector<2000x128xf32>
    %sub3A_295 = arith.subf %sub3A_294, %logistic3A_287 : vector<2000x128xf32>
    %mul3A_296 = arith.mulf %sub3A_295, %tanh3A_292 : vector<2000x128xf32>
    %mul3A_297 = arith.mulf %logistic3A_287, %add3A_256 : vector<2000x128xf32>
    %add3A_298 = arith.addf %mul3A_296, %mul3A_297 : vector<2000x128xf32>
    %get3A_299 = arith.constant 7 : index
    %get3A_300 = arith.constant 0 : index
    %get3A_301 = arith.constant 0 : index
    %get3A_302 = vector.load %arg1[%get3A_299, %get3A_300, %get3A_301] : memref<8x2000x128xf32, #tpu.memory_space<vmem>>, vector<1x2000x128xf32>
    %get3A_303 = vector.shape_cast %get3A_302 : vector<1x2000x128xf32> to vector<2000x128xf32>
    %dot_general3A_304 = arith.constant dense<0.000000e+00> : vector<2000x384xf32>
    %dot_general3A_305 = tpu.matmul %get3A_303, %get3A_1, %dot_general3A_304 {dimension_numbers = #tpu.dot_dimension_numbers<[1], [0], [0], [1], [0, 0, 1, 1], [], []>, transpose_lhs_hint = false} : vector<2000x128xf32>, vector<128x384xf32>, vector<2000x384xf32> -> vector<2000x384xf32>
    %add3A_306 = vector.broadcast %get3A_7 : vector<1x384xf32> to vector<2000x384xf32>
    %add3A_307 = arith.addf %dot_general3A_305, %add3A_306 : vector<2000x384xf32>
    %dot_general3A_308 = arith.constant dense<0.000000e+00> : vector<2000x384xf32>
    %dot_general3A_309 = tpu.matmul %add3A_298, %get3A_4, %dot_general3A_308 {dimension_numbers = #tpu.dot_dimension_numbers<[1], [0], [0], [1], [0, 0, 1, 1], [], []>, transpose_lhs_hint = false} : vector<2000x128xf32>, vector<128x384xf32>, vector<2000x384xf32> -> vector<2000x384xf32>
    %add3A_310 = vector.broadcast %get3A_10 : vector<1x384xf32> to vector<2000x384xf32>
    %add3A_311 = arith.addf %dot_general3A_309, %add3A_310 : vector<2000x384xf32>
    %slice3A_312 = vector.extract_strided_slice %add3A_307 {offsets = [0, 0], sizes = [2000, 128], strides = [1, 1]} : vector<2000x384xf32> to vector<2000x128xf32>
    %slice3A_313 = vector.extract_strided_slice %add3A_311 {offsets = [0, 0], sizes = [2000, 128], strides = [1, 1]} : vector<2000x384xf32> to vector<2000x128xf32>
    %add3A_314 = arith.addf %slice3A_312, %slice3A_313 : vector<2000x128xf32>
    %logistic3A_315 = arith.negf %add3A_314 : vector<2000x128xf32>
    %logistic3A_316 = math.exp %logistic3A_315 : vector<2000x128xf32>
    %logistic3A_317 = arith.constant 1.000000e+00 : f32
    %logistic3A_318 = vector.broadcast %logistic3A_317 : f32 to vector<2000x128xf32>
    %logistic3A_319 = arith.addf %logistic3A_318, %logistic3A_316 : vector<2000x128xf32>
    %logistic3A_320 = arith.divf %logistic3A_318, %logistic3A_319 : vector<2000x128xf32>
    %slice3A_321 = vector.extract_strided_slice %add3A_307 {offsets = [0, 128], sizes = [2000, 128], strides = [1, 1]} : vector<2000x384xf32> to vector<2000x128xf32>
    %slice3A_322 = vector.extract_strided_slice %add3A_311 {offsets = [0, 128], sizes = [2000, 128], strides = [1, 1]} : vector<2000x384xf32> to vector<2000x128xf32>
    %add3A_323 = arith.addf %slice3A_321, %slice3A_322 : vector<2000x128xf32>
    %logistic3A_324 = arith.negf %add3A_323 : vector<2000x128xf32>
    %logistic3A_325 = math.exp %logistic3A_324 : vector<2000x128xf32>
    %logistic3A_326 = arith.constant 1.000000e+00 : f32
    %logistic3A_327 = vector.broadcast %logistic3A_326 : f32 to vector<2000x128xf32>
    %logistic3A_328 = arith.addf %logistic3A_327, %logistic3A_325 : vector<2000x128xf32>
    %logistic3A_329 = arith.divf %logistic3A_327, %logistic3A_328 : vector<2000x128xf32>
    %slice3A_330 = vector.extract_strided_slice %add3A_307 {offsets = [0, 256], sizes = [2000, 128], strides = [1, 1]} : vector<2000x384xf32> to vector<2000x128xf32>
    %slice3A_331 = vector.extract_strided_slice %add3A_311 {offsets = [0, 256], sizes = [2000, 128], strides = [1, 1]} : vector<2000x384xf32> to vector<2000x128xf32>
    %mul3A_332 = arith.mulf %logistic3A_320, %slice3A_331 : vector<2000x128xf32>
    %add3A_333 = arith.addf %slice3A_330, %mul3A_332 : vector<2000x128xf32>
    %tanh3A_334 = math.tanh %add3A_333 : vector<2000x128xf32>
    %sub3A_335 = arith.constant 1.000000e+00 : f32
    %sub3A_336 = vector.broadcast %sub3A_335 : f32 to vector<2000x128xf32>
    %sub3A_337 = arith.subf %sub3A_336, %logistic3A_329 : vector<2000x128xf32>
    %mul3A_338 = arith.mulf %sub3A_337, %tanh3A_334 : vector<2000x128xf32>
    %mul3A_339 = arith.mulf %logistic3A_329, %add3A_298 : vector<2000x128xf32>
    %add3A_340 = arith.addf %mul3A_338, %mul3A_339 : vector<2000x128xf32>
    %get3A_341 = arith.constant 0 : index
    %get3A_342 = arith.constant 0 : index
    %get3A_343 = vector.load %arg6[%get3A_341, %get3A_342] : memref<128x128xf32, #tpu.memory_space<vmem>>, vector<128x128xf32>
    %dot_general3A_344 = arith.constant dense<0.000000e+00> : vector<2000x128xf32>
    %dot_general3A_345 = tpu.matmul %add3A_340, %get3A_343, %dot_general3A_344 {dimension_numbers = #tpu.dot_dimension_numbers<[1], [0], [0], [1], [0, 0, 1, 1], [], []>, transpose_lhs_hint = false} : vector<2000x128xf32>, vector<128x128xf32>, vector<2000x128xf32> -> vector<2000x128xf32>
    %get3A_346 = arith.constant 0 : index
    %get3A_347 = arith.constant 0 : index
    %get3A_348 = vector.load %arg7[%get3A_346, %get3A_347] : memref<2000x2xf32, #tpu.memory_space<vmem>>, vector<2000x1xf32>
    %get3A_349 = arith.constant 0 : index
    %get3A_350 = arith.constant 1 : index
    %get3A_351 = vector.load %arg7[%get3A_349, %get3A_350] : memref<2000x2xf32, #tpu.memory_space<vmem>>, vector<2000x1xf32>
    %add3A_352 = arith.addf %get3A_348, %get3A_351 : vector<2000x1xf32>
    %add3A_353 = arith.constant 1.000000e+00 : f32
    %add3A_354 = vector.broadcast %add3A_353 : f32 to vector<2000x1xf32>
    %add3A_355 = arith.addf %add3A_352, %add3A_354 : vector<2000x1xf32>
    %rsqrt3A = math.rsqrt %add3A_355 : vector<2000x1xf32>
    %swap3A = arith.constant 0 : index
    %swap3A_356 = arith.constant 0 : index
    %swap3A_357 = vector.load %arg9[%swap3A, %swap3A_356] : memref<2000x1xf32, #tpu.memory_space<vmem>>, vector<2000x1xf32>
    tpu.vector_store %arg9[%swap3A, %swap3A_356], %rsqrt3A {strides = array<i32>} : memref<2000x1xf32, #tpu.memory_space<vmem>>, vector<2000x1xf32>,
    %mul3A_358 = vector.broadcast %rsqrt3A : vector<2000x1xf32> to vector<2000x128xf32>
    %mul3A_359 = arith.mulf %dot_general3A_345, %mul3A_358 : vector<2000x128xf32>
    %convert_element_type3A = arith.truncf %mul3A_359 : vector<2000x128xf32> to vector<2000x128xbf16>
    %slice3A_360 = vector.extract_strided_slice %convert_element_type3A {offsets = [0, 0], sizes = [2000, 64], strides = [1, 1]} : vector<2000x128xbf16> to vector<2000x64xbf16>
    %swap3A_361 = arith.constant 0 : index
    %swap3A_362 = arith.constant 0 : index
    %swap3A_363 = arith.constant 0 : index
    %swap3A_364 = vector.load %arg8[%swap3A_361, %swap3A_362, %swap3A_363] : memref<2x2000x64xbf16, #tpu.memory_space<vmem>>, vector<1x2000x64xbf16>
    %swap3A_365 = vector.shape_cast %swap3A_364 : vector<1x2000x64xbf16> to vector<2000x64xbf16>
    %swap3A_366 = vector.shape_cast %slice3A_360 : vector<2000x64xbf16> to vector<1x2000x64xbf16>
    tpu.vector_store %arg8[%swap3A_361, %swap3A_362, %swap3A_363], %swap3A_366 {strides = array<i32>} : memref<2x2000x64xbf16, #tpu.memory_space<vmem>>, vector<1x2000x64xbf16>,
    %slice3A_367 = vector.extract_strided_slice %convert_element_type3A {offsets = [0, 64], sizes = [2000, 64], strides = [1, 1]} : vector<2000x128xbf16> to vector<2000x64xbf16>
    %swap3A_368 = arith.constant 1 : index
    %swap3A_369 = arith.constant 0 : index
    %swap3A_370 = arith.constant 0 : index
    %swap3A_371 = vector.load %arg8[%swap3A_368, %swap3A_369, %swap3A_370] : memref<2x2000x64xbf16, #tpu.memory_space<vmem>>, vector<1x2000x64xbf16>
    %swap3A_372 = vector.shape_cast %swap3A_371 : vector<1x2000x64xbf16> to vector<2000x64xbf16>
    %swap3A_373 = vector.shape_cast %slice3A_367 : vector<2000x64xbf16> to vector<1x2000x64xbf16>
    tpu.vector_store %arg8[%swap3A_368, %swap3A_369, %swap3A_370], %swap3A_373 {strides = array<i32>} : memref<2x2000x64xbf16, #tpu.memory_space<vmem>>, vector<1x2000x64xbf16>,
    return
  }
  func.func @transform_0(%arg0: i32) -> (i32, i32, i32) {
    %c0_i32 = arith.constant 0 : i32
    %c0_i32_0 = arith.constant 0 : i32
    %c0_i32_1 = arith.constant 0 : i32
    return %c0_i32, %arg0, %c0_i32_0 : i32, i32, i32
  }
  func.func @transform_1(%arg0: i32) -> (i32, i32) {
    %c0_i32 = arith.constant 0 : i32
    %c0_i32_0 = arith.constant 0 : i32
    %c0_i32_1 = arith.constant 0 : i32
    return %c0_i32, %c0_i32_0 : i32, i32
  }
  func.func @transform_2(%arg0: i32) -> (i32, i32) {
    %c0_i32 = arith.constant 0 : i32
    %c0_i32_0 = arith.constant 0 : i32
    %c0_i32_1 = arith.constant 0 : i32
    return %c0_i32, %c0_i32_0 : i32, i32
  }
  func.func @transform_3(%arg0: i32) -> (i32, i32) {
    %c0_i32 = arith.constant 0 : i32
    %c0_i32_0 = arith.constant 0 : i32
    %c0_i32_1 = arith.constant 0 : i32
    return %c0_i32, %c0_i32_0 : i32, i32
  }
  func.func @transform_4(%arg0: i32) -> (i32, i32) {
    %c0_i32 = arith.constant 0 : i32
    %c0_i32_0 = arith.constant 0 : i32
    %c0_i32_1 = arith.constant 0 : i32
    return %c0_i32, %c0_i32_0 : i32, i32
  }
  func.func @transform_5(%arg0: i32) -> (i32, i32) {
    %c0_i32 = arith.constant 0 : i32
    %c0_i32_0 = arith.constant 0 : i32
    %c0_i32_1 = arith.constant 0 : i32
    return %c0_i32, %c0_i32_0 : i32, i32
  }
  func.func @transform_6(%arg0: i32) -> (i32, i32) {
    %c0_i32 = arith.constant 0 : i32
    %c0_i32_0 = arith.constant 0 : i32
    return %arg0, %c0_i32 : i32, i32
  }
  func.func @transform_7(%arg0: i32) -> (i32, i32, i32) {
    %c0_i32 = arith.constant 0 : i32
    %c0_i32_0 = arith.constant 0 : i32
    %c0_i32_1 = arith.constant 0 : i32
    return %c0_i32, %arg0, %c0_i32_0 : i32, i32, i32
  }
  func.func @transform_8(%arg0: i32) -> (i32, i32) {
    %c0_i32 = arith.constant 0 : i32
    %c0_i32_0 = arith.constant 0 : i32
    return %arg0, %c0_i32 : i32, i32
  }
}

module attributes {stable_mosaic.version = 14 : i64} {
  func.func @_heads_body(%arg0: i32, %arg1: memref<1x1x2000x64xbf16, #tpu.memory_space<vmem>>, %arg2: memref<1x1x2000x64xbf16, #tpu.memory_space<vmem>>, %arg3: memref<1x1x2000x64xbf16, #tpu.memory_space<vmem>>, %arg4: memref<1x1x2000x64xbf16, #tpu.memory_space<vmem>>, %arg5: memref<2000x1xf32, #tpu.memory_space<vmem>>, %arg6: memref<1x128xf32, #tpu.memory_space<vmem>>, %arg7: memref<128x64xf32, #tpu.memory_space<vmem>>, %arg8: memref<1x64xf32, #tpu.memory_space<vmem>>, %arg9: memref<64x1xf32, #tpu.memory_space<vmem>>, %arg10: memref<1x1xf32, #tpu.memory_space<vmem>>, %arg11: memref<128x16xf32, #tpu.memory_space<vmem>>, %arg12: memref<1x16xf32, #tpu.memory_space<vmem>>, %arg13: memref<2000x1xf32, #tpu.memory_space<vmem>>, %arg14: memref<2000x16xf32, #tpu.memory_space<vmem>>) attributes {dimension_semantics = [#tpu.dimension_semantics<arbitrary>], iteration_bounds = array<i64: 5>, scalar_prefetch = 0 : i64, scratch_operands = 0 : i64, tpu.core_type = #tpu.core_type<tc>, window_params = [{transform_indices = @transform_0, window_bounds = array<i64: 1, 1, 2000, 64>}, {transform_indices = @transform_1, window_bounds = array<i64: 1, 1, 2000, 64>}, {transform_indices = @transform_2, window_bounds = array<i64: 1, 1, 2000, 64>}, {transform_indices = @transform_3, window_bounds = array<i64: 1, 1, 2000, 64>}, {transform_indices = @transform_4, window_bounds = array<i64: 2000, 1>}, {pipeline_mode = #tpu.pipeline_mode<synchronous>, transform_indices = @transform_5, window_bounds = array<i64: 1, 128>}, {pipeline_mode = #tpu.pipeline_mode<synchronous>, transform_indices = @transform_6, window_bounds = array<i64: 128, 64>}, {pipeline_mode = #tpu.pipeline_mode<synchronous>, transform_indices = @transform_7, window_bounds = array<i64: 1, 64>}, {pipeline_mode = #tpu.pipeline_mode<synchronous>, transform_indices = @transform_8, window_bounds = array<i64: 64, 1>}, {pipeline_mode = #tpu.pipeline_mode<synchronous>, transform_indices = @transform_9, window_bounds = array<i64: 1, 1>}, {pipeline_mode = #tpu.pipeline_mode<synchronous>, transform_indices = @transform_10, window_bounds = array<i64: 128, 16>}, {pipeline_mode = #tpu.pipeline_mode<synchronous>, transform_indices = @transform_11, window_bounds = array<i64: 1, 16>}, {transform_indices = @transform_12, window_bounds = array<i64: 2000, 1>}, {transform_indices = @transform_13, window_bounds = array<i64: 2000, 16>}]} {
    %get3A = arith.constant 0 : index
    %get3A_0 = arith.constant 0 : index
    %get3A_1 = arith.constant 0 : index
    %get3A_2 = arith.constant 0 : index
    %get3A_3 = vector.load %arg1[%get3A, %get3A_0, %get3A_1, %get3A_2] : memref<1x1x2000x64xbf16, #tpu.memory_space<vmem>>, vector<1x1x2000x64xbf16>
    %get3A_4 = vector.shape_cast %get3A_3 : vector<1x1x2000x64xbf16> to vector<2000x64xbf16>
    %convert_element_type3A = arith.extf %get3A_4 : vector<2000x64xbf16> to vector<2000x64xf32>
    %get3A_5 = arith.constant 0 : index
    %get3A_6 = arith.constant 0 : index
    %get3A_7 = arith.constant 0 : index
    %get3A_8 = arith.constant 0 : index
    %get3A_9 = vector.load %arg2[%get3A_5, %get3A_6, %get3A_7, %get3A_8] : memref<1x1x2000x64xbf16, #tpu.memory_space<vmem>>, vector<1x1x2000x64xbf16>
    %get3A_10 = vector.shape_cast %get3A_9 : vector<1x1x2000x64xbf16> to vector<2000x64xbf16>
    %convert_element_type3A_11 = arith.extf %get3A_10 : vector<2000x64xbf16> to vector<2000x64xf32>
    %add3A = arith.addf %convert_element_type3A, %convert_element_type3A_11 : vector<2000x64xf32>
    %get3A_12 = arith.constant 0 : index
    %get3A_13 = arith.constant 0 : index
    %get3A_14 = arith.constant 0 : index
    %get3A_15 = arith.constant 0 : index
    %get3A_16 = vector.load %arg3[%get3A_12, %get3A_13, %get3A_14, %get3A_15] : memref<1x1x2000x64xbf16, #tpu.memory_space<vmem>>, vector<1x1x2000x64xbf16>
    %get3A_17 = vector.shape_cast %get3A_16 : vector<1x1x2000x64xbf16> to vector<2000x64xbf16>
    %convert_element_type3A_18 = arith.extf %get3A_17 : vector<2000x64xbf16> to vector<2000x64xf32>
    %get3A_19 = arith.constant 0 : index
    %get3A_20 = arith.constant 0 : index
    %get3A_21 = arith.constant 0 : index
    %get3A_22 = arith.constant 0 : index
    %get3A_23 = vector.load %arg4[%get3A_19, %get3A_20, %get3A_21, %get3A_22] : memref<1x1x2000x64xbf16, #tpu.memory_space<vmem>>, vector<1x1x2000x64xbf16>
    %get3A_24 = vector.shape_cast %get3A_23 : vector<1x1x2000x64xbf16> to vector<2000x64xbf16>
    %convert_element_type3A_25 = arith.extf %get3A_24 : vector<2000x64xbf16> to vector<2000x64xf32>
    %add3A_26 = arith.addf %convert_element_type3A_18, %convert_element_type3A_25 : vector<2000x64xf32>
    %concatenate3A = tpu.concatenate %add3A, %add3A_26 in 1 : vector<2000x64xf32>, vector<2000x64xf32> -> vector<2000x128xf32>
    %get3A_27 = arith.constant 0 : index
    %get3A_28 = arith.constant 0 : index
    %get3A_29 = vector.load %arg5[%get3A_27, %get3A_28] : memref<2000x1xf32, #tpu.memory_space<vmem>>, vector<2000x1xf32>
    %mul3A = vector.broadcast %get3A_29 : vector<2000x1xf32> to vector<2000x128xf32>
    %mul3A_30 = arith.mulf %concatenate3A, %mul3A : vector<2000x128xf32>
    %get3A_31 = arith.constant 0 : index
    %get3A_32 = arith.constant 0 : index
    %get3A_33 = vector.load %arg6[%get3A_31, %get3A_32] : memref<1x128xf32, #tpu.memory_space<vmem>>, vector<1x128xf32>
    %add3A_34 = vector.broadcast %get3A_33 : vector<1x128xf32> to vector<2000x128xf32>
    %add3A_35 = arith.addf %mul3A_30, %add3A_34 : vector<2000x128xf32>
    %get3A_36 = arith.constant 0 : index
    %get3A_37 = arith.constant 0 : index
    %get3A_38 = vector.load %arg7[%get3A_36, %get3A_37] : memref<128x64xf32, #tpu.memory_space<vmem>>, vector<128x64xf32>
    %dot_general3A = arith.constant dense<0.000000e+00> : vector<2000x64xf32>
    %dot_general3A_39 = tpu.matmul %add3A_35, %get3A_38, %dot_general3A {dimension_numbers = #tpu.dot_dimension_numbers<[1], [0], [0], [1], [0, 0, 1, 1], [], []>, transpose_lhs_hint = false} : vector<2000x128xf32>, vector<128x64xf32>, vector<2000x64xf32> -> vector<2000x64xf32>
    %get3A_40 = arith.constant 0 : index
    %get3A_41 = arith.constant 0 : index
    %get3A_42 = vector.load %arg8[%get3A_40, %get3A_41] : memref<1x64xf32, #tpu.memory_space<vmem>>, vector<1x64xf32>
    %add3A_43 = vector.broadcast %get3A_42 : vector<1x64xf32> to vector<2000x64xf32>
    %add3A_44 = arith.addf %dot_general3A_39, %add3A_43 : vector<2000x64xf32>
    %max3A = arith.constant 0.000000e+00 : f32
    %max3A_45 = vector.broadcast %max3A : f32 to vector<2000x64xf32>
    %max3A_46 = arith.maximumf %add3A_44, %max3A_45 : vector<2000x64xf32>
    %get3A_47 = arith.constant 0 : index
    %get3A_48 = arith.constant 0 : index
    %get3A_49 = vector.load %arg9[%get3A_47, %get3A_48] : memref<64x1xf32, #tpu.memory_space<vmem>>, vector<64x1xf32>
    %dot_general3A_50 = arith.constant dense<0.000000e+00> : vector<2000x1xf32>
    %dot_general3A_51 = tpu.matmul %max3A_46, %get3A_49, %dot_general3A_50 {dimension_numbers = #tpu.dot_dimension_numbers<[1], [0], [0], [1], [0, 0, 1, 1], [], []>, transpose_lhs_hint = false} : vector<2000x64xf32>, vector<64x1xf32>, vector<2000x1xf32> -> vector<2000x1xf32>
    %get3A_52 = arith.constant 0 : index
    %get3A_53 = arith.constant 0 : index
    %get3A_54 = vector.load %arg10[%get3A_52, %get3A_53] : memref<1x1xf32, #tpu.memory_space<vmem>>, vector<1x1xf32>
    %add3A_55 = vector.broadcast %get3A_54 : vector<1x1xf32> to vector<2000x1xf32>
    %add3A_56 = arith.addf %dot_general3A_51, %add3A_55 : vector<2000x1xf32>
    %swap3A = arith.constant 0 : index
    %swap3A_57 = arith.constant 0 : index
    %swap3A_58 = vector.load %arg13[%swap3A, %swap3A_57] : memref<2000x1xf32, #tpu.memory_space<vmem>>, vector<2000x1xf32>
    tpu.vector_store %arg13[%swap3A, %swap3A_57], %add3A_56 {strides = array<i32>} : memref<2000x1xf32, #tpu.memory_space<vmem>>, vector<2000x1xf32>,
    %get3A_59 = arith.constant 0 : index
    %get3A_60 = arith.constant 0 : index
    %get3A_61 = vector.load %arg11[%get3A_59, %get3A_60] : memref<128x16xf32, #tpu.memory_space<vmem>>, vector<128x16xf32>
    %dot_general3A_62 = arith.constant dense<0.000000e+00> : vector<2000x16xf32>
    %dot_general3A_63 = tpu.matmul %add3A_35, %get3A_61, %dot_general3A_62 {dimension_numbers = #tpu.dot_dimension_numbers<[1], [0], [0], [1], [0, 0, 1, 1], [], []>, transpose_lhs_hint = false} : vector<2000x128xf32>, vector<128x16xf32>, vector<2000x16xf32> -> vector<2000x16xf32>
    %get3A_64 = arith.constant 0 : index
    %get3A_65 = arith.constant 0 : index
    %get3A_66 = vector.load %arg12[%get3A_64, %get3A_65] : memref<1x16xf32, #tpu.memory_space<vmem>>, vector<1x16xf32>
    %add3A_67 = vector.broadcast %get3A_66 : vector<1x16xf32> to vector<2000x16xf32>
    %add3A_68 = arith.addf %dot_general3A_63, %add3A_67 : vector<2000x16xf32>
    %swap3A_69 = arith.constant 0 : index
    %swap3A_70 = arith.constant 0 : index
    %swap3A_71 = vector.load %arg14[%swap3A_69, %swap3A_70] : memref<2000x16xf32, #tpu.memory_space<vmem>>, vector<2000x16xf32>
    tpu.vector_store %arg14[%swap3A_69, %swap3A_70], %add3A_68 {strides = array<i32>} : memref<2000x16xf32, #tpu.memory_space<vmem>>, vector<2000x16xf32>,
    return
  }
  func.func @transform_0(%arg0: i32) -> (i32, i32, i32, i32) {
    %c0_i32 = arith.constant 0 : i32
    %c0_i32_0 = arith.constant 0 : i32
    %c0_i32_1 = arith.constant 0 : i32
    %c0_i32_2 = arith.constant 0 : i32
    return %c0_i32, %c0_i32_0, %arg0, %c0_i32_1 : i32, i32, i32, i32
  }
  func.func @transform_1(%arg0: i32) -> (i32, i32, i32, i32) {
    %c0_i32 = arith.constant 0 : i32
    %c1_i32 = arith.constant 1 : i32
    %c0_i32_0 = arith.constant 0 : i32
    %c0_i32_1 = arith.constant 0 : i32
    return %c0_i32, %c1_i32, %arg0, %c0_i32_0 : i32, i32, i32, i32
  }
  func.func @transform_2(%arg0: i32) -> (i32, i32, i32, i32) {
    %c1_i32 = arith.constant 1 : i32
    %c0_i32 = arith.constant 0 : i32
    %c0_i32_0 = arith.constant 0 : i32
    %c0_i32_1 = arith.constant 0 : i32
    return %c1_i32, %c0_i32, %arg0, %c0_i32_0 : i32, i32, i32, i32
  }
  func.func @transform_3(%arg0: i32) -> (i32, i32, i32, i32) {
    %c1_i32 = arith.constant 1 : i32
    %c1_i32_0 = arith.constant 1 : i32
    %c0_i32 = arith.constant 0 : i32
    %c0_i32_1 = arith.constant 0 : i32
    return %c1_i32, %c1_i32_0, %arg0, %c0_i32 : i32, i32, i32, i32
  }
  func.func @transform_4(%arg0: i32) -> (i32, i32) {
    %c0_i32 = arith.constant 0 : i32
    %c0_i32_0 = arith.constant 0 : i32
    return %arg0, %c0_i32 : i32, i32
  }
  func.func @transform_5(%arg0: i32) -> (i32, i32) {
    %c0_i32 = arith.constant 0 : i32
    %c0_i32_0 = arith.constant 0 : i32
    %c0_i32_1 = arith.constant 0 : i32
    return %c0_i32, %c0_i32_0 : i32, i32
  }
  func.func @transform_6(%arg0: i32) -> (i32, i32) {
    %c0_i32 = arith.constant 0 : i32
    %c0_i32_0 = arith.constant 0 : i32
    %c0_i32_1 = arith.constant 0 : i32
    return %c0_i32, %c0_i32_0 : i32, i32
  }
  func.func @transform_7(%arg0: i32) -> (i32, i32) {
    %c0_i32 = arith.constant 0 : i32
    %c0_i32_0 = arith.constant 0 : i32
    %c0_i32_1 = arith.constant 0 : i32
    return %c0_i32, %c0_i32_0 : i32, i32
  }
  func.func @transform_8(%arg0: i32) -> (i32, i32) {
    %c0_i32 = arith.constant 0 : i32
    %c0_i32_0 = arith.constant 0 : i32
    %c0_i32_1 = arith.constant 0 : i32
    return %c0_i32, %c0_i32_0 : i32, i32
  }
  func.func @transform_9(%arg0: i32) -> (i32, i32) {
    %c0_i32 = arith.constant 0 : i32
    %c0_i32_0 = arith.constant 0 : i32
    %c0_i32_1 = arith.constant 0 : i32
    return %c0_i32, %c0_i32_0 : i32, i32
  }
  func.func @transform_10(%arg0: i32) -> (i32, i32) {
    %c0_i32 = arith.constant 0 : i32
    %c0_i32_0 = arith.constant 0 : i32
    %c0_i32_1 = arith.constant 0 : i32
    return %c0_i32, %c0_i32_0 : i32, i32
  }
  func.func @transform_11(%arg0: i32) -> (i32, i32) {
    %c0_i32 = arith.constant 0 : i32
    %c0_i32_0 = arith.constant 0 : i32
    %c0_i32_1 = arith.constant 0 : i32
    return %c0_i32, %c0_i32_0 : i32, i32
  }
  func.func @transform_12(%arg0: i32) -> (i32, i32) {
    %c0_i32 = arith.constant 0 : i32
    %c0_i32_0 = arith.constant 0 : i32
    return %arg0, %c0_i32 : i32, i32
  }
  func.func @transform_13(%arg0: i32) -> (i32, i32) {
    %c0_i32 = arith.constant 0 : i32
    %c0_i32_0 = arith.constant 0 : i32
    return %arg0, %c0_i32 : i32, i32
  }
}

</mosaic_0001>

<sc_bundles>
// kernel: sc_degree.3.cloned.1.call-start
scs
__scs_entry_jumppad:
0x0: {  	(pc) =	sbr.rel $0x88, $3  }
0x1: {  	(tag) =	ssettag $0x0;
	lr =	simm.s32 $0x1  }
0x2: {  	[smem:$0x3F93] =	sst lr;
	_ =	strace $0xD0000000  }
0x3: {  	_ = 	snop  }
0x4: {  	_ = 	snop  }
0x5: {  	_ = 	snop  }
0x6: {  	_ = 	snop  }
0x7: {  	_ = 	snop  }
__scs_overlays_trampoline_lowered:
0x8: {  	[smem:$0x3FA2] =	sst s0  }
0x9: {  	[smem:$0x3FA3] =	sst s1  }
0xa: {  	[smem:$0x3FA4] =	sst s2  }
0xb: {  	[smem:$0x3FA5] =	sst s3  }
0xc: {  	[smem:$0x3FA6] =	sst s4  }
0xd: {  	[smem:$0x3FA7] =	sst s5  }
0xe: {  	[smem:$0x3FA8] =	sst s6  }
0xf: {  	[smem:$0x3FA9] =	sst s7  }
0x10: {  	[smem:$0x3FAA] =	sst s8  }
0x11: {  	[smem:$0x3FAB] =	sst s9;
	s0 =	simm.s32 @!p0 $0x0  }
0x12: {  	s1 =	sld [smem:$0x3F91];
	s0 =	simm.s32 @p0 $0x1  }
0x13: {  	[smem:$0x3FAC] =	sst s0;
	s0 =	simm.s32 @!p1 $0x0  }
0x14: {  	s2 =	sld [smem:$0x3F90];
	s0 =	simm.s32 @p1 $0x1  }
0x15: {  	[smem:$0x3FAD] =	sst s0;
	s0 =	simm.s32 @!p2 $0x0  }
0x16: {  	s3 =	sld [smem:$0x3FDB];
	s0 =	simm.s32 @p2 $0x1  }
0x17: {  	s4 =	simm.s32 $0x1BF5;
	[smem:$0x3FAF] =	sst s0  }
0x18: {  	s0 =	sld [smem:$0x3F92];
	_ =	swait.ge [sflag:s4], $0x0  }
0x19: {  	s7 =	sld [smem:$0x3F93]  }
0x1a: {  	s8 =	sadd.s32 $0xFFFFE003, lr  }
0x1b: {  	s9 =	sadd.s32 $0xFFFFFEF7, lr;
	s5 =	simm.s32 $0xFFFFFFFF;
	p2 =	slt.u32 s8, $0xFFFFF086  }
0x1c: {  	p1 =	slt.u32 s9, $0xF7A;
	s5 =	simm.s32 @!p2 $0x0  }
0x1d: {  	s5 =	simm.s32 @p1 $0x1;
	p0 =	seq.s32 s7, s2  }
0x1e: {  	s7 =	smul.u32 @!p0 $0xF7A, s2;
	p2 =	seq.s32 @!p0 s5, $0x0  }
0x1f: {  	s9 =	smul.u32 $0xF7A, s1;
	s8 =	simm.s32 @!p0 $0x1BF5;
	p2 =	por !p2, p0  }
0x20: {  	[sflag:s8] =	ssyncset.s32 @!p0 $0xFFFFF086;
	s6 =	sadd.s32 @!p0 s3, s7;
	s7 =	simm.s32 @!p0 $0x108  }
0x21: {  	s3 =	sadd.s32 s3, s9;
	s6 =	sadd.s32 @!p0 $0x88, s6;
	s7 =	simm.s32 @p2 $0x1082  }
0x22: {  	[simem:s7], [sflag:s8] =	dma.local @!p0 [hbm:s6], $0xF7A  }
0x23: {  	s9 =	sor.u32 $0xD0000000, s2;
	s6 =	simm.s32 $0x108;
	_ =	swait.ge @!p0 [sflag:s8], $0x0  }
0x24: {  	s3 =	sadd.s32 $0x88, s3;
	s6 =	simm.s32 @!p1 $0x1082;
	[sflag:s4] =	ssyncset.s32 $0xFFFFF086  }
0x25: {  	[simem:s6], [sflag:s4] =	dma.local [hbm:s3], $0xF7A  }
0x26: {  	[smem:$0x3F93] =	sst s1;
	(tag) =	ssettag s2;
	_ =	strace s9  }
0x27: {  	s1 =	sld [smem:$0x3FA3]  }
0x28: {  	s2 =	sld [smem:$0x3FA4]  }
0x29: {  	s4 =	sld [smem:$0x3FA6]  }
0x2a: {  	p0 =	seq.s32 s5, $0x0;
	s5 =	sld [smem:$0x3FA7]  }
0x2b: {  	s6 =	sld [smem:$0x3FA8]  }
0x2c: {  	s7 =	sld [smem:$0x3FA9]  }
0x2d: {  	s3 =	simm.s32 $0x108;
	s8 =	sld [smem:$0x3FAA]  }
0x2e: {  	s3 =	simm.s32 @!p0 $0x1082;
	s9 =	sld [smem:$0x3FAB]  }
0x2f: {  	lr =	sadd.s32 s0, s3;
	s0 =	sld [smem:$0x3FA2]  }
0x30: {  	s3 =	sld [smem:$0x3FA5]  }
0x31: {  	[smem:$0x3FAE] =	sst s10  }
0x32: {  	s10 =	sld [smem:$0x3FAC];
	_ =	sdelay $0x3  }
0x33: {  	p0 =	seq.s32 s10, $0x1;
	s10 =	sld [smem:$0x3FAE];
	_ =	sdelay $0x3  }
0x34: {  	[smem:$0x3FAE] =	sst s10  }
0x35: {  	s10 =	sld [smem:$0x3FAD];
	_ =	sdelay $0x3  }
0x36: {  	p1 =	seq.s32 s10, $0x1;
	s10 =	sld [smem:$0x3FAE];
	_ =	sdelay $0x3  }
0x37: {  	[smem:$0x3FAE] =	sst s10  }
0x38: {  	s10 =	sld [smem:$0x3FAF]  }
0x39: {  	_ = 	snop;
	(pc) =	sbr.ind lr, $3  }
0x3a: {  	_ = 	snop  }
0x3b: {  	_ = 	snop  }
0x3c: {  	p2 =	seq.s32 s10, $0x1;
	s10 =	sld [smem:$0x3FAE]  }
0x3d: {  	_ =	shalt  }
0x3e: {  	_ =	shalt  }
0x3f: {  	_ =	shalt  }
0x40: {  	_ =	shalt  }
0x41: {  	_ =	shalt  }
0x42: {  	_ =	shalt  }
0x43: {  	_ =	shalt  }
0x44: {  	_ =	shalt  }
0x45: {  	_ =	shalt  }
0x46: {  	_ =	shalt  }
0x47: {  	_ =	shalt  }
0x48: {  	_ =	shalt  }
0x49: {  	_ =	shalt  }
0x4a: {  	_ =	shalt  }
0x4b: {  	_ =	shalt  }
0x4c: {  	_ =	shalt  }
0x4d: {  	_ =	shalt  }
0x4e: {  	_ =	shalt  }
0x4f: {  	_ =	shalt  }
0x50: {  	_ =	shalt  }
0x51: {  	_ =	shalt  }
0x52: {  	_ =	shalt  }
0x53: {  	_ =	shalt  }
0x54: {  	_ =	shalt  }
0x55: {  	_ =	shalt  }
0x56: {  	_ =	shalt  }
0x57: {  	_ =	shalt  }
0x58: {  	_ =	shalt  }
0x59: {  	_ =	shalt  }
0x5a: {  	_ =	shalt  }
0x5b: {  	_ =	shalt  }
0x5c: {  	_ =	shalt  }
0x5d: {  	_ =	shalt  }
0x5e: {  	_ =	shalt  }
0x5f: {  	_ =	shalt  }
0x60: {  	_ =	shalt  }
0x61: {  	_ =	shalt  }
0x62: {  	_ =	shalt  }
0x63: {  	_ =	shalt  }
0x64: {  	_ =	shalt  }
0x65: {  	_ =	shalt  }
0x66: {  	_ =	shalt  }
0x67: {  	_ =	shalt  }
0x68: {  	_ =	shalt  }
0x69: {  	_ =	shalt  }
0x6a: {  	_ =	shalt  }
0x6b: {  	_ =	shalt  }
0x6c: {  	_ =	shalt  }
0x6d: {  	_ =	shalt  }
0x6e: {  	_ =	shalt  }
0x6f: {  	_ =	shalt  }
0x70: {  	_ =	shalt  }
0x71: {  	_ =	shalt  }
0x72: {  	_ =	shalt  }
0x73: {  	_ =	shalt  }
0x74: {  	_ =	shalt  }
0x75: {  	_ =	shalt  }
0x76: {  	_ =	shalt  }
0x77: {  	_ =	shalt  }
0x78: {  	_ =	shalt  }
0x79: {  	_ =	shalt  }
0x7a: {  	_ =	shalt  }
0x7b: {  	_ =	shalt  }
0x7c: {  	_ =	shalt  }
0x7d: {  	_ =	shalt  }
0x7e: {  	_ =	shalt  }
0x7f: {  	_ =	shalt  }
0x80: {  	_ =	shalt  }
0x81: {  	_ =	shalt  }
0x82: {  	_ =	shalt  }
0x83: {  	_ =	shalt  }
0x84: {  	_ =	shalt  }
0x85: {  	_ =	shalt  }
0x86: {  	_ =	shalt  }
0x87: {  	_ =	shalt  }
.Lfunc_end0:
.L_simem_size_0:
called_computation_lowered:
.L_overlay_start_0:
0x88: {  	s2 =	sld [smem:$0x3FD9]  }
0x89: {  	s3 =	sld [smem:$0x3FFE];
	_ =	sdelay $0x1  }
0x8a: {  	s1 =	srdreg.scid  }
0x8b: {  	s0 =	sand.u32 $0x1, s1  }
0x8c: {  	s14 =	sshll.u32 s0, $0xA;
	s2 =	sadd.s32 s3, s2  }
0x8d: {  	s2 =	sadd.s32 s2, s14  }
0x8e: {  	[smem:$0x3FBA] =	sst s2  }
0x8f: {  	_ = 	snop  }
0x90: {  	s2 =	sld [smem:$0x3FD0];
	_ =	sdelay $0x2  }
0x91: {  	s15 =	simm.s32 $0xA;
	s4 =	simm.s32 $0x10  }
0x92: {  	[smem:s4], [sflag:s15] =	dma.local [hbm:s2], $0x1  }
0x93: {  	_ =	swait.eq [sflag:s15], $0x1  }
0x94: {  	[sflag:s15] =	ssyncset.done $0x0  }
0x95: {  	[sflag:s15] =	ssyncadd.s32 $0xFFFFFFFF  }
0x96: {  	s16 =	sld [smem:$0x11];
	(tm) =	ssettm $0x1  }
0x97: {  	s17 =	sld [smem:$0x3FFB];
	_ =	sdelay $0x3  }
0x98: {  	_ =	strace s17  }
0x99: {  	s3 =	sld [smem:$0x3FFC];
	_ =	sdelay $0x3  }
0x9a: {  	_ =	strace s3  }
0x9b: {  	s3 =	sld [smem:$0x3FFD];
	_ =	sdelay $0x3  }
0x9c: {  	_ =	strace s3  }
0x9d: {  	_ =	strace $0x8FFFFFFF  }
0x9e: {  	s18 =	sld [smem:$0x3FDB];
	_ =	sdelay $0x1  }
0x9f: {  	s19 =	simm.s32 $_scs_section_size  }
0xa0: {  	s5 =	simm.s32 $_size__tile_overlayer_lowered;
	s6 =	simm.s32 $_tile_overlayer_lowered  }
0xa1: {  	s22 =	simm.s32 $0x1BFF;
	s21 =	sshll.u32 s6, $0x1;
	s3 =	sadd.s32 s19, s18  }
0xa2: {  	s7 =	simm.s32 $0x0;
	s20 =	sshll.u32 s5, $0x1;
	s5 =	sadd.s32 s21, s3  }
0xa3: {  	[timem:s7], [sflag:s22] =	dma.local [hbm:s5], s20  }
0xa4: {  	_ =	swait.ge [sflag:s22], s20  }
0xa5: {  	s4 =	ssub.s32 $0x0, s20;
	[sflag:s22] =	ssyncset.done $0x0  }
0xa6: {  	[sflag:s22] =	ssyncadd.s32 s4;
	_ =	sdelay $0x1  }
0xa7: {  	s23 =	simm.s32 $0x1B8B  }
0xa8: {  	_ =	swait.ge [sflag:s23], $0x1  }
0xa9: {  	[sflag:s23] =	ssyncset.done $0x0  }
0xaa: {  	s25 =	simm.s32 $0x1B8E;
	s24 =	sld [smem:$0x3FFE];
	[sflag:s23] =	ssyncadd.s32 $0xFFFFFFFF  }
0xab: {  	s26 =	simm.s32 $execute0_lowered;
	[smem:$0x3FD2] =	sst s25  }
0xac: {  	s5 =	sshll.u32 s26, $0x1;
	_ =	strace $0x80000046;
	[dreg:$0x1] =	wrdreg $0xFFFFFFFF  }
0xad: {  	s28 =	simm.s32 $_size_execute0_lowered;
	s3 =	sadd.s32 s3, s5;
	[dreg:$0x0] =	wrdreg $0x0  }
0xae: {  	s5 =	sshll.u32 s28, $0x1;
	[dreg:$0x2] =	wrdreg s3  }
0xaf: {  	[dreg:$0x3] =	wrdreg s5  }
0xb0: {  	[dreg:$0x4] =	wrdreg $0xC0  }
0xb1: {  	_ =	task [dreg:s7], $0x5FFFF  }
0xb2: {  	[dreg:$0x1] =	wrdreg $0xFFFFFFFF  }
0xb3: {  	[dreg:$0x0] =	wrdreg $0x60  }
0xb4: {  	[dreg:$0x2] =	wrdreg s24  }
0xb5: {  	[dreg:$0x3] =	wrdreg s16  }
0xb6: {  	[dreg:$0x4] =	wrdreg $0x28800  }
0xb7: {  	[dreg:$0x5] =	wrdreg $0x9  }
0xb8: {  	_ =	task.clear_ibuf [dreg:s7], $0x6FFFF;
	_ =	strace $0x90000046  }
0xb9: {  	s29 =	simm.s32 $0x9;
	_ =	strace $0x80000048  }
0xba: {  	_ =	swait.ge [sflag:s29], $0x1  }
0xbb: {  	[sflag:s29] =	ssyncadd.s32 $0xFFFFFFFF  }
0xbc: {  	_ =	strace $0x90000048  }
0xbd: {  	_ =	sfence  }
0xbe: {  	s30 =	sld [smem:$0x0];
	_ =	sdelay $0x2  }
0xbf: {  	s31 =	sshll.u32 s1, $0xD;
	s1 =	sshrl.u32 s1, $0x2  }
0xc0: {  	s3 =	sand.u32 $0x4000, s31;
	s1 =	sadd.s32 s1, s30  }
0xc1: {  	s0 =	sor.u32 s3, s0;
	s1 =	sshll.u32 s1, $0x11  }
0xc2: {  	s0 =	sor.u32 s1, s0  }
0xc3: {  	s0 =	sadd.s32 $0x8F2B, s0  }
0xc4: {  	[sflag:s0] =	ssyncadd.remote.s32 $0x1  }
0xc5: {  	_ =	sfence.sel $0xFFFF  }
0xc6: {  	[dreg:$0x0] =	wrdreg $0xFFFFFFFF;
	(pc) =	sbr.abs _section_cstart, $3  }
0xc7: {  	[dreg:$0x1] =	wrdreg $0xFFFFFFFF  }
0xc8: {  	_ =	task.clear_ibuf [dreg:s7], $0x2FFFF;
	_ =	strace $0x9FFFFFFF  }
0xc9: {  	(tm) =	ssettm $0x7FFFFFFF  }
tec
execute0_lowered:
.L_overlay_start_1:
0x0: {  	(tag) =	ssettag $0x1  }
0x1: {  	s4 =	rddreg [dreg:$0x0]  }
0x2: {  	s6 =	rddreg [dreg:$0x1];
	s0 =	srdreg.scid  }
0x3: {  	s8 =	stileid.u32;
	s1 =	rddreg [dreg:$0x2]  }
0x4: {  	s2 =	simm.s32 $0x0;
	s11 =	simm.s32 $0x80;
	s12 =	simm.s32 $0x0  }
0x5: {  	s5 =	sand.u32 $0x1, s0;
	s3 =	sshll.u32 s8, $0x1;
	s0 =	rddreg [dreg:$0x3]  }
0x6: {  	[smem:$0x7FF] =	sst s2;
	p0 =	sne.s32 s8, $0x0;
	s8 =	simm.s32 $0x1  }
0x7: {  	s3 =	sor.u32 s5, s3;
	_ =	strace $0x80000047;
	s7 =	ssub.s32 $0x2, s5  }
0x8: {  	s31 =	sshll.u32 s5, $0x4;
	s3 =	smul.u32 $0x500, s3;
	s10 =	sshrl.u32 s7, $0x1  }
0x9: {  	s6 =	sadd.s32 s6, s31;
	s7 =	ssub.s32 s7, s10;
	s10 =	sshrl.u32 @!p0 s1, $0x3  }
0xa: {  	s9 =	sadd.s32 s3, s4;
	s3 =	sadd.s32 $0xBA00, s4;
	s4 =	sadd.s32 $0xBC00, s4  }
0xb: {  	s7 =	smax.u32 s7, $0x1;
	s5 =	sadd.s32 $0x1A00, s9;
	s9 =	simm.s32 $0x2800  }
.LBB2_1:
0xc: {  	[tilespmem:s2], [sflag:$0x1] =	stream.linear.gather [hbm4b:s5+s2], $0x2800, $0x38;
	[tilespmem:$0x2AF8] =	vst v63  }
0xd: {  	_ =	swait.ge [sflag:s8], $0x2800  }
0xe: {  	[sflag:s8] =	ssyncset.done $0x0  }
0xf: {  	[sflag:s8] =	ssyncadd.s32 $0xFFFFD800  }
0x10: {  	[tilespmem:s9], [sflag:$0x1] =	stream.linear.gather [hbm4b:s3+s2], $0x80, $0x38;
	[tilespmem:$0x2AF8] =	vst v63  }
0x11: {  	_ =	swait.ge [sflag:s8], $0x80  }
0x12: {  	[sflag:s8] =	ssyncset.done $0x0  }
0x13: {  	s13 =	simm.s32 @!p0 $0x1C01;
	[sflag:s8] =	ssyncadd.s32 $0xFFFFFF80  }
0x14: {  	[spmem:s10], [sflag:s13] =	dma.local @!p0 [hbm:s4], $0x4F0  }
0x15: {  	s13 =	simm.s32 @!p0 $0x1  }
0x16: {  	_ =	swait.ge @!p0 [sflag:s13], $0x4F0  }
0x17: {  	[sflag:s13] =	ssyncset.done @!p0 $0x0  }
0x18: {  	[sflag:s13] =	ssyncadd.s32 @!p0 $0xFFFFFB10  }
0x19: {  	s31 =	simm.s32 $0x0;
	[bflag:$0x0] =	sbarrier.arrive $0xFFFF  }
0x1a: {  	[spmem:s1] =	stream.indirect.scatter.add.f32 [tilespmem:s9], [sflag:$0x1], $0x1, s31, s11, $0xb8;
	[tilespmem:$0x2AF8] =	vst v63  }
0x1b: {  	_ =	swait.ge [sflag:s8], $0x80  }
0x1c: {  	s13 =	simm.s32 $0x200;
	[sflag:s8] =	ssyncset.done $0x0  }
.LBB2_2:
0x1d: {  	s14 =	sshra.s32 s13, $0x2;
	[sflag:s8] =	ssyncadd.s32 $0xFFFFFF80;
	p1 =	sne.s32 s13, $0x9E00  }
0x1e: {  	[spmem:s1] =	stream.indirect.scatter.add.f32 [tilespmem:s9], [sflag:$0x1], $0x1, s14, s11, $0xb8;
	[tilespmem:$0x2AF8] =	vst v63  }
.Ltmp0:
0x1f: {  	_ = 	snop;
	(pc) =	sbr.rel @p1 .LBB2_2-.Ltmp0, $4  }
0x20: {  	_ = 	snop  }
0x21: {  	s13 =	sadd.s32 $0x200, s13  }
0x22: {  	_ =	swait.ge [sflag:s8], $0x80  }
0x23: {  	[sflag:s8] =	ssyncset.done $0x0  }
0x24: {  	[sflag:s8] =	ssyncadd.s32 $0xFFFFFF80;
	s13 =	simm.s32 @!p0 $0x1;
	s12 =	sadd.s32 $0x1, s12  }
0x25: {  	s14 =	simm.s32 @!p0 $0x20;
	s15 =	simm.s32 @!p0 $0x10;
	p1 =	sne.s32 s12, s7  }
.Ltmp1:
0x26: {  	s16 =	simm.s32 @!p0 $0x1C01;
	[bflag:$0x0] =	sbarrier.arrive $0xFFFF;
	(pc) =	sbr.rel @p1 .LBB2_1-.Ltmp1, $4  }
0x27: {  	[hbm:s6@s14], [sflag:s16] =	dma.strided @!p0 [spmem:s10@s15], $0x4F0, s13, $0x10   }
0x28: {  	_ =	swait.ge @!p0 [sflag:s13], $0x4F0  }
0x29: {  	[sflag:s13] =	ssyncset.done @!p0 $0x0  }
0x2a: {  	[sflag:s13] =	ssyncadd.s32 @!p0 $0xFFFFFB10  }
0x2b: {  	_ =	sfence.sel $0x180000  }
0x2c: {  	[bflag:$0x0] =	sbarrier.arrive $0xFFFF  }
0x2d: {  	_ =	strace $0x90000047  }
0x2e: {  	s0 =	sadd.s32 @!p0 $0x100000, s0;
	[bflag:$0x2] =	sbarrier.arrive $0xFFFF  }
0x2f: {  	[sflag:s0] =	ssyncadd.tile.s32 @!p0 $0x1;
	_ =	shalt  }
.Lfunc_end2:
_tile_overlayer_lowered:
.L_overlay_start_2:
0x30: {  	(tag) =	ssettag $0x2  }
0x31: {  	s0 =	rddreg [dreg:$0x0];
	s2 =	stileid.u32  }
0x32: {  	s1 =	rddreg [dreg:$0x1];
	p0 =	sne.s32 s2, $0x0  }
0x33: {  	s3 =	rddreg [dreg:$0x2];
	[bflag:$0x3] =	sbarrier.arrive $0xFFFF;
	s2 =	simm.s32 @!p0 $0x1C01  }
0x34: {  	[timem:s3], [sflag:s2] =	dma.local @!p0 [hbm:s0], s1  }
0x35: {  	s0 =	simm.s32 @!p0 $0x1  }
0x36: {  	_ =	swait.ge @!p0 [sflag:s0], s1  }
0x37: {  	s1 =	ssub.s32 @!p0 $0x0, s1;
	[sflag:s0] =	ssyncset.done @!p0 $0x0  }
0x38: {  	[sflag:s0] =	ssyncadd.s32 @!p0 s1  }
0x39: {  	[bflag:$0x3] =	sbarrier.arrive $0xFFFF  }
0x3a: {  	_ =	shalt  }

// kernel: sc_edge_aggregate.3.cloned.1.call-start
scs
__scs_entry_jumppad:
0x0: {  	(pc) =	sbr.rel $0x88, $3  }
0x1: {  	(tag) =	ssettag $0x0;
	lr =	simm.s32 $0x1  }
0x2: {  	[smem:$0x3F93] =	sst lr;
	_ =	strace $0xD0000000  }
0x3: {  	_ = 	snop  }
0x4: {  	_ = 	snop  }
0x5: {  	_ = 	snop  }
0x6: {  	_ = 	snop  }
0x7: {  	_ = 	snop  }
__scs_overlays_trampoline_lowered:
0x8: {  	[smem:$0x3FA2] =	sst s0  }
0x9: {  	[smem:$0x3FA3] =	sst s1  }
0xa: {  	[smem:$0x3FA4] =	sst s2  }
0xb: {  	[smem:$0x3FA5] =	sst s3  }
0xc: {  	[smem:$0x3FA6] =	sst s4  }
0xd: {  	[smem:$0x3FA7] =	sst s5  }
0xe: {  	[smem:$0x3FA8] =	sst s6  }
0xf: {  	[smem:$0x3FA9] =	sst s7  }
0x10: {  	[smem:$0x3FAA] =	sst s8  }
0x11: {  	[smem:$0x3FAB] =	sst s9;
	s0 =	simm.s32 @!p0 $0x0  }
0x12: {  	s1 =	sld [smem:$0x3F91];
	s0 =	simm.s32 @p0 $0x1  }
0x13: {  	[smem:$0x3FAC] =	sst s0;
	s0 =	simm.s32 @!p1 $0x0  }
0x14: {  	s2 =	sld [smem:$0x3F90];
	s0 =	simm.s32 @p1 $0x1  }
0x15: {  	[smem:$0x3FAD] =	sst s0;
	s0 =	simm.s32 @!p2 $0x0  }
0x16: {  	s3 =	sld [smem:$0x3FDB];
	s0 =	simm.s32 @p2 $0x1  }
0x17: {  	s4 =	simm.s32 $0x1BF5;
	[smem:$0x3FAF] =	sst s0  }
0x18: {  	s0 =	sld [smem:$0x3F92];
	_ =	swait.ge [sflag:s4], $0x0  }
0x19: {  	s7 =	sld [smem:$0x3F93]  }
0x1a: {  	s8 =	sadd.s32 $0xFFFFE003, lr  }
0x1b: {  	s9 =	sadd.s32 $0xFFFFFEF7, lr;
	s5 =	simm.s32 $0xFFFFFFFF;
	p2 =	slt.u32 s8, $0xFFFFF086  }
0x1c: {  	p1 =	slt.u32 s9, $0xF7A;
	s5 =	simm.s32 @!p2 $0x0  }
0x1d: {  	s5 =	simm.s32 @p1 $0x1;
	p0 =	seq.s32 s7, s2  }
0x1e: {  	s7 =	smul.u32 @!p0 $0xF7A, s2;
	p2 =	seq.s32 @!p0 s5, $0x0  }
0x1f: {  	s9 =	smul.u32 $0xF7A, s1;
	s8 =	simm.s32 @!p0 $0x1BF5;
	p2 =	por !p2, p0  }
0x20: {  	[sflag:s8] =	ssyncset.s32 @!p0 $0xFFFFF086;
	s6 =	sadd.s32 @!p0 s3, s7;
	s7 =	simm.s32 @!p0 $0x108  }
0x21: {  	s3 =	sadd.s32 s3, s9;
	s6 =	sadd.s32 @!p0 $0x88, s6;
	s7 =	simm.s32 @p2 $0x1082  }
0x22: {  	[simem:s7], [sflag:s8] =	dma.local @!p0 [hbm:s6], $0xF7A  }
0x23: {  	s9 =	sor.u32 $0xD0000000, s2;
	s6 =	simm.s32 $0x108;
	_ =	swait.ge @!p0 [sflag:s8], $0x0  }
0x24: {  	s3 =	sadd.s32 $0x88, s3;
	s6 =	simm.s32 @!p1 $0x1082;
	[sflag:s4] =	ssyncset.s32 $0xFFFFF086  }
0x25: {  	[simem:s6], [sflag:s4] =	dma.local [hbm:s3], $0xF7A  }
0x26: {  	[smem:$0x3F93] =	sst s1;
	(tag) =	ssettag s2;
	_ =	strace s9  }
0x27: {  	s1 =	sld [smem:$0x3FA3]  }
0x28: {  	s2 =	sld [smem:$0x3FA4]  }
0x29: {  	s4 =	sld [smem:$0x3FA6]  }
0x2a: {  	p0 =	seq.s32 s5, $0x0;
	s5 =	sld [smem:$0x3FA7]  }
0x2b: {  	s6 =	sld [smem:$0x3FA8]  }
0x2c: {  	s7 =	sld [smem:$0x3FA9]  }
0x2d: {  	s3 =	simm.s32 $0x108;
	s8 =	sld [smem:$0x3FAA]  }
0x2e: {  	s3 =	simm.s32 @!p0 $0x1082;
	s9 =	sld [smem:$0x3FAB]  }
0x2f: {  	lr =	sadd.s32 s0, s3;
	s0 =	sld [smem:$0x3FA2]  }
0x30: {  	s3 =	sld [smem:$0x3FA5]  }
0x31: {  	[smem:$0x3FAE] =	sst s10  }
0x32: {  	s10 =	sld [smem:$0x3FAC];
	_ =	sdelay $0x3  }
0x33: {  	p0 =	seq.s32 s10, $0x1;
	s10 =	sld [smem:$0x3FAE];
	_ =	sdelay $0x3  }
0x34: {  	[smem:$0x3FAE] =	sst s10  }
0x35: {  	s10 =	sld [smem:$0x3FAD];
	_ =	sdelay $0x3  }
0x36: {  	p1 =	seq.s32 s10, $0x1;
	s10 =	sld [smem:$0x3FAE];
	_ =	sdelay $0x3  }
0x37: {  	[smem:$0x3FAE] =	sst s10  }
0x38: {  	s10 =	sld [smem:$0x3FAF]  }
0x39: {  	_ = 	snop;
	(pc) =	sbr.ind lr, $3  }
0x3a: {  	_ = 	snop  }
0x3b: {  	_ = 	snop  }
0x3c: {  	p2 =	seq.s32 s10, $0x1;
	s10 =	sld [smem:$0x3FAE]  }
0x3d: {  	_ =	shalt  }
0x3e: {  	_ =	shalt  }
0x3f: {  	_ =	shalt  }
0x40: {  	_ =	shalt  }
0x41: {  	_ =	shalt  }
0x42: {  	_ =	shalt  }
0x43: {  	_ =	shalt  }
0x44: {  	_ =	shalt  }
0x45: {  	_ =	shalt  }
0x46: {  	_ =	shalt  }
0x47: {  	_ =	shalt  }
0x48: {  	_ =	shalt  }
0x49: {  	_ =	shalt  }
0x4a: {  	_ =	shalt  }
0x4b: {  	_ =	shalt  }
0x4c: {  	_ =	shalt  }
0x4d: {  	_ =	shalt  }
0x4e: {  	_ =	shalt  }
0x4f: {  	_ =	shalt  }
0x50: {  	_ =	shalt  }
0x51: {  	_ =	shalt  }
0x52: {  	_ =	shalt  }
0x53: {  	_ =	shalt  }
0x54: {  	_ =	shalt  }
0x55: {  	_ =	shalt  }
0x56: {  	_ =	shalt  }
0x57: {  	_ =	shalt  }
0x58: {  	_ =	shalt  }
0x59: {  	_ =	shalt  }
0x5a: {  	_ =	shalt  }
0x5b: {  	_ =	shalt  }
0x5c: {  	_ =	shalt  }
0x5d: {  	_ =	shalt  }
0x5e: {  	_ =	shalt  }
0x5f: {  	_ =	shalt  }
0x60: {  	_ =	shalt  }
0x61: {  	_ =	shalt  }
0x62: {  	_ =	shalt  }
0x63: {  	_ =	shalt  }
0x64: {  	_ =	shalt  }
0x65: {  	_ =	shalt  }
0x66: {  	_ =	shalt  }
0x67: {  	_ =	shalt  }
0x68: {  	_ =	shalt  }
0x69: {  	_ =	shalt  }
0x6a: {  	_ =	shalt  }
0x6b: {  	_ =	shalt  }
0x6c: {  	_ =	shalt  }
0x6d: {  	_ =	shalt  }
0x6e: {  	_ =	shalt  }
0x6f: {  	_ =	shalt  }
0x70: {  	_ =	shalt  }
0x71: {  	_ =	shalt  }
0x72: {  	_ =	shalt  }
0x73: {  	_ =	shalt  }
0x74: {  	_ =	shalt  }
0x75: {  	_ =	shalt  }
0x76: {  	_ =	shalt  }
0x77: {  	_ =	shalt  }
0x78: {  	_ =	shalt  }
0x79: {  	_ =	shalt  }
0x7a: {  	_ =	shalt  }
0x7b: {  	_ =	shalt  }
0x7c: {  	_ =	shalt  }
0x7d: {  	_ =	shalt  }
0x7e: {  	_ =	shalt  }
0x7f: {  	_ =	shalt  }
0x80: {  	_ =	shalt  }
0x81: {  	_ =	shalt  }
0x82: {  	_ =	shalt  }
0x83: {  	_ =	shalt  }
0x84: {  	_ =	shalt  }
0x85: {  	_ =	shalt  }
0x86: {  	_ =	shalt  }
0x87: {  	_ =	shalt  }
.Lfunc_end0:
.L_simem_size_0:
called_computation.1_lowered:
.L_overlay_start_0:
0x88: {  	s2 =	sld [smem:$0x3FD9]  }
0x89: {  	s3 =	sld [smem:$0x3FFE];
	_ =	sdelay $0x1  }
0x8a: {  	s1 =	srdreg.scid  }
0x8b: {  	s0 =	sand.u32 $0x1, s1  }
0x8c: {  	s14 =	sshll.u32 s0, $0xA;
	s2 =	sadd.s32 s3, s2  }
0x8d: {  	s2 =	sadd.s32 s2, s14  }
0x8e: {  	[smem:$0x3FBA] =	sst s2  }
0x8f: {  	_ = 	snop  }
0x90: {  	s2 =	sld [smem:$0x3FD0];
	_ =	sdelay $0x2  }
0x91: {  	s15 =	simm.s32 $0xA;
	s4 =	simm.s32 $0x10  }
0x92: {  	[smem:s4], [sflag:s15] =	dma.local [hbm:s2], $0x1  }
0x93: {  	_ =	swait.eq [sflag:s15], $0x1  }
0x94: {  	[sflag:s15] =	ssyncset.done $0x0  }
0x95: {  	[sflag:s15] =	ssyncadd.s32 $0xFFFFFFFF  }
0x96: {  	s16 =	sld [smem:$0x10];
	(tm) =	ssettm $0x1  }
0x97: {  	s17 =	sld [smem:$0x3FFB];
	_ =	sdelay $0x3  }
0x98: {  	_ =	strace s17  }
0x99: {  	s3 =	sld [smem:$0x3FFC];
	_ =	sdelay $0x3  }
0x9a: {  	_ =	strace s3  }
0x9b: {  	s3 =	sld [smem:$0x3FFD];
	_ =	sdelay $0x3  }
0x9c: {  	_ =	strace s3  }
0x9d: {  	_ =	strace $0x8FFFFFFF  }
0x9e: {  	s18 =	sld [smem:$0x3FDB];
	_ =	sdelay $0x1  }
0x9f: {  	s19 =	simm.s32 $_scs_section_size  }
0xa0: {  	s5 =	simm.s32 $_size__tile_overlayer_lowered;
	s6 =	simm.s32 $_tile_overlayer_lowered  }
0xa1: {  	s22 =	simm.s32 $0x1BFF;
	s21 =	sshll.u32 s6, $0x1;
	s3 =	sadd.s32 s19, s18  }
0xa2: {  	s7 =	simm.s32 $0x0;
	s20 =	sshll.u32 s5, $0x1;
	s5 =	sadd.s32 s21, s3  }
0xa3: {  	[timem:s7], [sflag:s22] =	dma.local [hbm:s5], s20  }
0xa4: {  	_ =	swait.ge [sflag:s22], s20  }
0xa5: {  	s4 =	ssub.s32 $0x0, s20;
	[sflag:s22] =	ssyncset.done $0x0  }
0xa6: {  	[sflag:s22] =	ssyncadd.s32 s4;
	_ =	sdelay $0x1  }
0xa7: {  	s23 =	simm.s32 $0x1B8B  }
0xa8: {  	_ =	swait.ge [sflag:s23], $0x1  }
0xa9: {  	[sflag:s23] =	ssyncset.done $0x0  }
0xaa: {  	s25 =	simm.s32 $0x1B8E;
	s24 =	sld [smem:$0x3FFE];
	[sflag:s23] =	ssyncadd.s32 $0xFFFFFFFF  }
0xab: {  	s26 =	simm.s32 $execute0_lowered;
	[smem:$0x3FD2] =	sst s25  }
0xac: {  	s5 =	sshll.u32 s26, $0x1;
	_ =	strace $0x80000049;
	[dreg:$0x1] =	wrdreg $0xFFFFFFFF  }
0xad: {  	s28 =	simm.s32 $_size_execute0_lowered;
	s3 =	sadd.s32 s3, s5;
	[dreg:$0x0] =	wrdreg $0x0  }
0xae: {  	s5 =	sshll.u32 s28, $0x1;
	[dreg:$0x2] =	wrdreg s3  }
0xaf: {  	[dreg:$0x3] =	wrdreg s5  }
0xb0: {  	[dreg:$0x4] =	wrdreg $0xC0  }
0xb1: {  	_ =	task [dreg:s7], $0x5FFFF  }
0xb2: {  	[dreg:$0x1] =	wrdreg $0xFFFFFFFF  }
0xb3: {  	[dreg:$0x0] =	wrdreg $0x60  }
0xb4: {  	[dreg:$0x2] =	wrdreg s24  }
0xb5: {  	[dreg:$0x3] =	wrdreg s16  }
0xb6: {  	[dreg:$0x4] =	wrdreg $0xE0000  }
0xb7: {  	[dreg:$0x5] =	wrdreg $0x12E300  }
0xb8: {  	[dreg:$0x6] =	wrdreg $0x9  }
0xb9: {  	_ =	task.clear_ibuf [dreg:s7], $0x7FFFF;
	_ =	strace $0x90000049  }
0xba: {  	s29 =	simm.s32 $0x9;
	_ =	strace $0x8000004B  }
0xbb: {  	_ =	swait.ge [sflag:s29], $0x1  }
0xbc: {  	[sflag:s29] =	ssyncadd.s32 $0xFFFFFFFF  }
0xbd: {  	_ =	strace $0x9000004B  }
0xbe: {  	_ =	sfence  }
0xbf: {  	s30 =	sld [smem:$0x0];
	_ =	sdelay $0x2  }
0xc0: {  	s31 =	sshll.u32 s1, $0xD;
	s1 =	sshrl.u32 s1, $0x2  }
0xc1: {  	s3 =	sand.u32 $0x4000, s31;
	s1 =	sadd.s32 s1, s30  }
0xc2: {  	s0 =	sor.u32 s3, s0;
	s1 =	sshll.u32 s1, $0x11  }
0xc3: {  	s0 =	sor.u32 s1, s0  }
0xc4: {  	s0 =	sadd.s32 $0x8F2B, s0  }
0xc5: {  	[sflag:s0] =	ssyncadd.remote.s32 $0x1  }
0xc6: {  	_ =	sfence.sel $0xFFFF  }
0xc7: {  	[dreg:$0x0] =	wrdreg $0xFFFFFFFF;
	(pc) =	sbr.abs _section_cstart, $3  }
0xc8: {  	[dreg:$0x1] =	wrdreg $0xFFFFFFFF  }
0xc9: {  	_ =	task.clear_ibuf [dreg:s7], $0x2FFFF;
	_ =	strace $0x9FFFFFFF  }
0xca: {  	(tm) =	ssettm $0x7FFFFFFF  }
0xcb: {  	_ =	shalt  }
tec
execute0_lowered:
.L_overlay_start_1:
0x0: {  	(tag) =	ssettag $0x1  }
0x1: {  	s0 =	rddreg [dreg:$0x0]  }
0x2: {  	s1 =	rddreg [dreg:$0x1]  }
0x3: {  	s2 =	rddreg [dreg:$0x2]  }
0x4: {  	s3 =	rddreg [dreg:$0x3];
	s5 =	stileid.u32  }
0x5: {  	s4 =	srdreg.scid;
	s7 =	simm.s32 $0x0;
	s29 =	simm.s32 $0xC000  }
0x6: {  	s31 =	simm.s32 $0xD000;
	s30 =	simm.s32 $0x5;
	s6 =	smul.u32 $0xA00, s5  }
0x7: {  	s4 =	sand.u32 $0x1, s4;
	[smem:$0x7FF] =	sst s7;
	s10 =	smul.u32 $0x9C00, s5  }
0x8: {  	s11 =	smul.u32 $0x13800, s5;
	s12 =	sadd.s32 $0x4E000, s2;
	s13 =	sadd.s32 $0x4E000, s3  }
0x9: {  	p0 =	sne.s32 s5, $0x0;
	s14 =	smul.u32 $0x9C40, s4;
	_ =	strace $0x8000004A  }
0xa: {  	s8 =	smul.u32 $0x138C0, s4;
	s4 =	ssub.s32 $0x2, s4;
	[dreg:$0x9] =	wrdreg s12  }
0xb: {  	s12 =	sadd.s32 $0x4E200, s2;
	[dreg:$0xa] =	wrdreg s13;
	s6 =	sadd.s32 s6, s0  }
0xc: {  	s9 =	sshrl.u32 s4, $0x1;
	s16 =	sshrl.u32 s10, $0x1;
	s17 =	sshrl.u32 s11, $0x2  }
0xd: {  	s10 =	sshrl.u32 s10, $0x4;
	s11 =	simm.s32 $0x8;
	s15 =	sadd.s32 $0xC200, s6  }
0xe: {  	s7 =	sadd.s32 s14, s0;
	s6 =	sadd.s32 $0x1A00, s6;
	[dreg:$0x5] =	wrdreg s15  }
0xf: {  	s0 =	sadd.s32 s8, s0;
	s18 =	sadd.s32 s16, s2;
	[dreg:$0x6] =	wrdreg s6  }
0x10: {  	s4 =	ssub.s32 s4, s9;
	s19 =	sadd.s32 s17, s3;
	[dreg:$0x7] =	wrdreg s18  }
0x11: {  	s9 =	sadd.s32 $0x16200, s7;
	s6 =	sadd.s32 s16, s3;
	s20 =	sadd.s32 $0x1000, s19  }
0x12: {  	s8 =	sadd.s32 $0x2000, s19;
	s21 =	sadd.s32 $0x3000, s19;
	s7 =	sadd.s32 $0x4000, s19  }
0x13: {  	s14 =	sadd.s32 $0x29C00, s0;
	s22 =	smax.u32 s4, $0x1;
	[dreg:$0x8] =	wrdreg s6  }
0x14: {  	s16 =	simm.s32 $0x9;
	s0 =	sshrl.u32 @!p0 s12, $0x3;
	[dreg:$0xb] =	wrdreg s22  }
0x15: {  	s4 =	simm.s32 $0x2;
	s23 =	sadd.s32 s10, s9;
	[dreg:$0x11] =	wrdreg s0  }
0x16: {  	s12 =	simm.s32 $0x0;
	s24 =	sshrl.u32 s20, $0x3;
	[dreg:$0xc] =	wrdreg s23  }
.Ltmp0:
0x17: {  	s25 =	sshrl.u32 s8, $0x3;
	[dreg:$0xd] =	wrdreg s24;
	(pc) =	sbr.rel .LBB2_1-.Ltmp0, $4  }
0x18: {  	s26 =	sshrl.u32 s21, $0x3;
	s28 =	sshrl.u32 s7, $0x3;
	[dreg:$0xe] =	wrdreg s25  }
0x19: {  	s0 =	simm.s32 $0x1;
	s6 =	simm.s32 $0x6;
	[dreg:$0xf] =	wrdreg s26  }
0x1a: {  	s7 =	simm.s32 $0x4;
	s8 =	simm.s32 $0x7;
	[dreg:$0x10] =	wrdreg s28  }
0x1b: {  	s24 =	simm.s32 $0x80;
	s25 =	simm.s32 $0xA000;
	s26 =	simm.s32 $0xB000  }
.LBB2_4:
0x1c: {  	_ =	swait.ge [sflag:s30], $0x1000  }
0x1d: {  	[sflag:s30] =	ssyncset.done $0x0  }
0x1e: {  	[sflag:s30] =	ssyncadd.s32 $0xFFFFF000  }
0x1f: {  	_ =	swait.ge [sflag:s6], $0x1000  }
0x20: {  	[sflag:s6] =	ssyncset.done $0x0  }
0x21: {  	[sflag:s6] =	ssyncadd.s32 $0xFFFFF000  }
0x22: {  	_ =	swait.ge [sflag:s8], $0x1000  }
0x23: {  	[sflag:s8] =	ssyncset.done $0x0  }
0x24: {  	[sflag:s8] =	ssyncadd.s32 $0xFFFFF000  }
0x25: {  	_ =	swait.ge [sflag:s11], $0x1000  }
0x26: {  	[sflag:s11] =	ssyncset.done $0x0  }
0x27: {  	[sflag:s11] =	ssyncadd.s32 $0xFFFFF000  }
0x28: {  	s5 =	sadd.s32 s10, s14;
	[bflag:$0x0] =	sbarrier.arrive $0xFFFF  }
0x29: {  	[hbm:s5], [sflag:s13] =	dma.local [spmem:s15], $0x9C0  }
0x2a: {  	_ =	swait.ge [sflag:s16], $0x9C0  }
0x2b: {  	s5 =	sadd.s32 $0x9C60, s14;
	[sflag:s16] =	ssyncset.done $0x0  }
0x2c: {  	s23 =	sadd.s32 s10, s5;
	[sflag:s16] =	ssyncadd.s32 $0xFFFFF640  }
0x2d: {  	[hbm:s23], [sflag:s13] =	dma.local [spmem:s17], $0x9C0  }
0x2e: {  	_ =	swait.ge [sflag:s16], $0x9C0  }
0x2f: {  	[sflag:s16] =	ssyncset.done $0x0  }
0x30: {  	s15 =	sadd.s32 @!p0 $0x9C00, s14;
	[sflag:s16] =	ssyncadd.s32 $0xFFFFF640  }
0x31: {  	[hbm:s15], [sflag:s13] =	dma.local @!p0 [spmem:s18], $0x40  }
0x32: {  	s15 =	simm.s32 @!p0 $0x9  }
0x33: {  	_ =	swait.ge @!p0 [sflag:s15], $0x40  }
0x34: {  	[sflag:s15] =	ssyncset.done @!p0 $0x0  }
0x35: {  	s5 =	sadd.s32 @!p0 $0x9C00, s5;
	[sflag:s15] =	ssyncadd.s32 @!p0 $0xFFFFFFC0  }
0x36: {  	[hbm:s5], [sflag:s13] =	dma.local @!p0 [spmem:s19], $0x40  }
0x37: {  	_ =	swait.ge @!p0 [sflag:s15], $0x40  }
0x38: {  	s12 =	sadd.s32 $0x1, s12;
	s28 =	rddreg [dreg:$0xb]  }
0x39: {  	p1 =	sne.s32 s12, s28  }
.Ltmp1:
0x3a: {  	_ = 	snop;
	(pc) =	sbr.rel @!p1 .LBB2_5-.Ltmp1, $3  }
0x3b: {  	_ =	sdelay $0x1  }
0x3c: {  	[sflag:s15] =	ssyncset.done @!p0 $0x0  }
0x3d: {  	[sflag:s15] =	ssyncadd.s32 @!p0 $0xFFFFFFC0  }
.LBB2_1:
0x3e: {  	s21 =	simm.s32 $0x0;
	s5 =	rddreg [dreg:$0x5]  }
0x3f: {  	[tilespmem:s21], [sflag:$0x9] =	stream.linear.gather [hbm4b:s5+s21], $0x5000, $0x38;
	[tilespmem:$0x17C60] =	vst v63  }
0x40: {  	_ =	swait.ge [sflag:s16], $0x5000  }
0x41: {  	s22 =	simm.s32 $0x5000;
	[sflag:s16] =	ssyncset.done $0x0  }
0x42: {  	s17 =	stileid.u32;
	s15 =	rddreg [dreg:$0x6];
	[sflag:s16] =	ssyncadd.s32 $0xFFFFB000  }
0x43: {  	[tilespmem:s22], [sflag:$0x9] =	stream.linear.gather [hbm4b:s15+s21], $0x5000, $0x38;
	[tilespmem:$0x17C60] =	vst v63  }
0x44: {  	s13 =	sshll.u32 s17, $0x6;
	_ =	swait.ge [sflag:s16], $0x5000  }
0x45: {  	s13 =	sor.u32 $0x1C09, s13;
	[sflag:s16] =	ssyncset.done $0x0;
	s18 =	rddreg [dreg:$0x7]  }
0x46: {  	s19 =	rddreg [dreg:$0xc];
	[sflag:s16] =	ssyncadd.s32 $0xFFFFB000;
	s15 =	sshrl.u32 s18, $0x3  }
0x47: {  	[spmem:s15], [sflag:s13] =	dma.local [hbm:s19], $0x9C0  }
0x48: {  	_ =	swait.ge [sflag:s16], $0x9C0  }
0x49: {  	[sflag:s16] =	ssyncset.done $0x0;
	s20 =	rddreg [dreg:$0x8]  }
0x4a: {  	[sflag:s16] =	ssyncadd.s32 $0xFFFFF640;
	s17 =	sshrl.u32 s20, $0x3  }
0x4b: {  	[spmem:s17], [sflag:s13] =	dma.local [hbm:s1], $0x200  }
0x4c: {  	_ =	swait.ge [sflag:s16], $0x200  }
0x4d: {  	[sflag:s16] =	ssyncset.done $0x0  }
0x4e: {  	s23 =	rddreg [dreg:$0xd];
	[sflag:s16] =	ssyncadd.s32 $0xFFFFFE00  }
0x4f: {  	[spmem:s23], [sflag:s13] =	dma.local [hbm:s1], $0x200  }
0x50: {  	_ =	swait.ge [sflag:s16], $0x200  }
0x51: {  	[sflag:s16] =	ssyncset.done $0x0  }
0x52: {  	s28 =	rddreg [dreg:$0xe];
	[sflag:s16] =	ssyncadd.s32 $0xFFFFFE00  }
0x53: {  	[spmem:s28], [sflag:s13] =	dma.local [hbm:s1], $0x200  }
0x54: {  	_ =	swait.ge [sflag:s16], $0x200  }
0x55: {  	[sflag:s16] =	ssyncset.done $0x0  }
0x56: {  	s18 =	rddreg [dreg:$0xf];
	[sflag:s16] =	ssyncadd.s32 $0xFFFFFE00  }
0x57: {  	[spmem:s18], [sflag:s13] =	dma.local [hbm:s1], $0x200  }
0x58: {  	_ =	swait.ge [sflag:s16], $0x200  }
0x59: {  	[sflag:s16] =	ssyncset.done $0x0  }
0x5a: {  	s19 =	rddreg [dreg:$0x10];
	[sflag:s16] =	ssyncadd.s32 $0xFFFFFE00  }
0x5b: {  	[spmem:s19], [sflag:s13] =	dma.local [hbm:s1], $0x1C0  }
0x5c: {  	_ =	swait.ge [sflag:s16], $0x1C0  }
0x5d: {  	s20 =	simm.s32 @!p0 $0x9;
	[sflag:s16] =	ssyncset.done $0x0;
	s5 =	rddreg [dreg:$0x9]  }
0x5e: {  	s19 =	sadd.s32 @!p0 $0x9C00, s9;
	[sflag:s16] =	ssyncadd.s32 $0xFFFFFE40;
	s18 =	sshrl.u32 @!p0 s5, $0x3  }
0x5f: {  	[spmem:s18], [sflag:s13] =	dma.local @!p0 [hbm:s19], $0x40  }
0x60: {  	_ =	swait.ge @!p0 [sflag:s20], $0x40  }
0x61: {  	[sflag:s20] =	ssyncset.done @!p0 $0x0  }
0x62: {  	s5 =	rddreg [dreg:$0x11];
	[sflag:s20] =	ssyncadd.s32 @!p0 $0xFFFFFFC0  }
0x63: {  	[spmem:s5], [sflag:s13] =	dma.local @!p0 [hbm:s1], $0x20  }
0x64: {  	_ =	swait.ge @!p0 [sflag:s20], $0x20  }
0x65: {  	[sflag:s20] =	ssyncset.done @!p0 $0x0;
	s5 =	rddreg [dreg:$0xa]  }
0x66: {  	[sflag:s20] =	ssyncadd.s32 @!p0 $0xFFFFFFE0;
	s19 =	sshrl.u32 @!p0 s5, $0x3  }
0x67: {  	[spmem:s19], [sflag:s13] =	dma.local @!p0 [hbm:s1], $0x60  }
0x68: {  	_ =	swait.ge @!p0 [sflag:s20], $0x60  }
0x69: {  	[sflag:s20] =	ssyncset.done @!p0 $0x0  }
0x6a: {  	[sflag:s20] =	ssyncadd.s32 @!p0 $0xFFFFFFA0  }
0x6b: {  	[bflag:$0x0] =	sbarrier.arrive $0xFFFF  }
0x6c: {  	[tilespmem:s25], [sflag:$0x1] =	stream.indirect.gather [hbm4b:s9+s24], $0x20, s21, s24, $0xb8;
	[tilespmem:$0x17C60] =	vst v63  }
0x6d: {  	_ = 	snop  }
0x6e: {  	[tilespmem:s26], [sflag:$0x2] =	stream.indirect.gather [hbm4b:s9+s24], $0x20, s24, s24, $0xb8;
	[tilespmem:$0x17C60] =	vst v63  }
0x6f: {  	s20 =	simm.s32 $0x100  }
0x70: {  	[tilespmem:s29], [sflag:$0x3] =	stream.indirect.gather [hbm4b:s9+s24], $0x20, s20, s24, $0xb8;
	[tilespmem:$0x17C60] =	vst v63  }
0x71: {  	s21 =	simm.s32 $0x180  }
0x72: {  	[tilespmem:s31], [sflag:$0x4] =	stream.indirect.gather [hbm4b:s9+s24], $0x20, s21, s24, $0xb8;
	[tilespmem:$0x17C60] =	vst v63  }
0x73: {  	_ =	swait.ge [sflag:s0], $0x1000  }
0x74: {  	[sflag:s0] =	ssyncset.done $0x0  }
0x75: {  	[sflag:s0] =	ssyncadd.s32 $0xFFFFF000  }
0x76: {  	[spmem:s2] =	stream.indirect.scatter.add.bf16 [tilespmem:s25], [sflag:$0x5], $0x20, s22, s24, $0xb8;
	[tilespmem:$0x17C60] =	vst v63  }
0x77: {  	_ =	swait.ge [sflag:s4], $0x1000  }
0x78: {  	[sflag:s4] =	ssyncset.done $0x0  }
0x79: {  	s23 =	simm.s32 $0x5080;
	[sflag:s4] =	ssyncadd.s32 $0xFFFFF000  }
0x7a: {  	[spmem:s3] =	stream.indirect.scatter.add.bf16 [tilespmem:s26], [sflag:$0x6], $0x20, s23, s24, $0xb8;
	[tilespmem:$0x17C60] =	vst v63  }
0x7b: {  	_ =	swait.ge [sflag:s30], $0x1000  }
0x7c: {  	[sflag:s30] =	ssyncset.done $0x0  }
0x7d: {  	s28 =	simm.s32 $0x200;
	s20 =	simm.s32 $0x3;
	[sflag:s30] =	ssyncadd.s32 $0xFFFFF000  }
0x7e: {  	[tilespmem:s25], [sflag:$0x1] =	stream.indirect.gather [hbm4b:s9+s24], $0x20, s28, s24, $0xb8;
	[tilespmem:$0x17C60] =	vst v63  }
0x7f: {  	_ =	swait.ge [sflag:s20], $0x1000  }
0x80: {  	[sflag:s20] =	ssyncset.done $0x0  }
0x81: {  	s21 =	simm.s32 $0x5100;
	[sflag:s20] =	ssyncadd.s32 $0xFFFFF000  }
0x82: {  	[spmem:s2] =	stream.indirect.scatter.add.bf16 [tilespmem:s29], [sflag:$0x7], $0x20, s21, s24, $0xb8;
	[tilespmem:$0x17C60] =	vst v63  }
0x83: {  	_ =	swait.ge [sflag:s6], $0x1000  }
0x84: {  	[sflag:s6] =	ssyncset.done $0x0  }
0x85: {  	s22 =	simm.s32 $0x280;
	[sflag:s6] =	ssyncadd.s32 $0xFFFFF000  }
0x86: {  	[tilespmem:s26], [sflag:$0x2] =	stream.indirect.gather [hbm4b:s9+s24], $0x20, s22, s24, $0xb8;
	[tilespmem:$0x17C60] =	vst v63  }
0x87: {  	_ =	swait.ge [sflag:s7], $0x1000  }
0x88: {  	[sflag:s7] =	ssyncset.done $0x0  }
0x89: {  	s23 =	simm.s32 $0x5180;
	[sflag:s7] =	ssyncadd.s32 $0xFFFFF000  }
0x8a: {  	[spmem:s3] =	stream.indirect.scatter.add.bf16 [tilespmem:s31], [sflag:$0x8], $0x20, s23, s24, $0xb8;
	[tilespmem:$0x17C60] =	vst v63  }
0x8b: {  	_ =	swait.ge [sflag:s8], $0x1000  }
0x8c: {  	[sflag:s8] =	ssyncset.done $0x0  }
0x8d: {  	s28 =	simm.s32 $0x300;
	s20 =	simm.s32 $0x0;
	[sflag:s8] =	ssyncadd.s32 $0xFFFFF000  }
0x8e: {  	[tilespmem:s29], [sflag:$0x3] =	stream.indirect.gather [hbm4b:s9+s24], $0x20, s28, s24, $0xb8;
	[tilespmem:$0x17C60] =	vst v63  }
.LBB2_2:
0x8f: {  	_ =	swait.ge [sflag:s0], $0x1000  }
0x90: {  	s21 =	sshra.s32 s20, $0x2;
	[sflag:s0] =	ssyncset.done $0x0  }
0x91: {  	s22 =	sadd.s32 $0x5200, s21;
	[sflag:s0] =	ssyncadd.s32 $0xFFFFF000  }
0x92: {  	[spmem:s2] =	stream.indirect.scatter.add.bf16 [tilespmem:s25], [sflag:$0x5], $0x20, s22, s24, $0xb8;
	[tilespmem:$0x17C60] =	vst v63  }
0x93: {  	_ =	swait.ge [sflag:s11], $0x1000  }
0x94: {  	[sflag:s11] =	ssyncset.done $0x0  }
0x95: {  	s5 =	sadd.s32 $0x380, s21;
	[sflag:s11] =	ssyncadd.s32 $0xFFFFF000  }
0x96: {  	[tilespmem:s31], [sflag:$0x4] =	stream.indirect.gather [hbm4b:s9+s24], $0x20, s5, s24, $0xb8;
	[tilespmem:$0x17C60] =	vst v63  }
0x97: {  	_ =	swait.ge [sflag:s4], $0x1000  }
0x98: {  	p1 =	seq.s32 s20, $0x13000;
	[sflag:s4] =	ssyncset.done $0x0  }
0x99: {  	s23 =	sadd.s32 $0x5280, s21;
	s22 =	simm.s32 @p1 $0x3;
	[sflag:s4] =	ssyncadd.s32 $0xFFFFF000  }
0x9a: {  	[spmem:s3] =	stream.indirect.scatter.add.bf16 [tilespmem:s26], [sflag:$0x6], $0x20, s23, s24, $0xb8;
	[tilespmem:$0x17C60] =	vst v63  }
0x9b: {  	_ =	swait.ge @p1 [sflag:s22], $0x1000  }
0x9c: {  	[sflag:s22] =	ssyncset.done @p1 $0x0  }
0x9d: {  	[sflag:s22] =	ssyncadd.s32 @p1 $0xFFFFF000;
	s22 =	sshra.s32 @p1 s20, $0x2  }
0x9e: {  	s5 =	simm.s32 @p1 $0xC000;
	s23 =	simm.s32 @p1 $0x80;
	s22 =	sadd.s32 @p1 $0x5300, s22  }
0x9f: {  	[spmem:s2] =	stream.indirect.scatter.add.bf16 @p1 [tilespmem:s5], [sflag:$0x7], $0x20, s22, s23, $0xb8;
	[tilespmem:$0x17C60] =	vst v63  }
0xa0: {  	s5 =	simm.s32 @!p1 $0x5  }
0xa1: {  	_ =	swait.ge @!p1 [sflag:s5], $0x1000  }
0xa2: {  	[sflag:s5] =	ssyncset.done @!p1 $0x0  }
0xa3: {  	[sflag:s5] =	ssyncadd.s32 @!p1 $0xFFFFF000;
	s5 =	sshra.s32 @!p1 s20, $0x2  }
0xa4: {  	s28 =	simm.s32 @!p1 $0xA000;
	s23 =	simm.s32 @!p1 $0x80;
	s22 =	sadd.s32 @!p1 $0x400, s5  }
0xa5: {  	[tilespmem:s28], [sflag:$0x1] =	stream.indirect.gather @!p1 [hbm4b:s9+s23], $0x20, s22, s23, $0xb8;
	[tilespmem:$0x17C60] =	vst v63  }
0xa6: {  	s22 =	simm.s32 @!p1 $0x3  }
0xa7: {  	_ =	swait.ge @!p1 [sflag:s22], $0x1000  }
0xa8: {  	[sflag:s22] =	ssyncset.done @!p1 $0x0  }
0xa9: {  	s28 =	simm.s32 @!p1 $0xC000;
	[sflag:s22] =	ssyncadd.s32 @!p1 $0xFFFFF000;
	s22 =	sadd.s32 @!p1 $0x5300, s5  }
0xaa: {  	[spmem:s2] =	stream.indirect.scatter.add.bf16 @!p1 [tilespmem:s28], [sflag:$0x7], $0x20, s22, s23, $0xb8;
	[tilespmem:$0x17C60] =	vst v63  }
0xab: {  	s22 =	simm.s32 @!p1 $0x6  }
0xac: {  	_ =	swait.ge @!p1 [sflag:s22], $0x1000  }
0xad: {  	[sflag:s22] =	ssyncset.done @!p1 $0x0  }
0xae: {  	s5 =	sadd.s32 @!p1 $0x480, s5;
	[sflag:s22] =	ssyncadd.s32 @!p1 $0xFFFFF000;
	s22 =	simm.s32 @!p1 $0xB000  }
0xaf: {  	[tilespmem:s22], [sflag:$0x2] =	stream.indirect.gather @!p1 [hbm4b:s9+s23], $0x20, s5, s23, $0xb8;
	[tilespmem:$0x17C60] =	vst v63  }
.Ltmp2:
0xb0: {  	_ = 	snop;
	(pc) =	sbr.rel @p1 .LBB2_4-.Ltmp2, $4  }
0xb1: {  	_ =	swait.ge [sflag:s7], $0x1000  }
0xb2: {  	[sflag:s7] =	ssyncset.done $0x0  }
0xb3: {  	s28 =	sadd.s32 $0x5380, s21;
	[sflag:s7] =	ssyncadd.s32 $0xFFFFF000  }
0xb4: {  	[spmem:s3] =	stream.indirect.scatter.add.bf16 [tilespmem:s31], [sflag:$0x8], $0x20, s28, s24, $0xb8;
	[tilespmem:$0x17C60] =	vst v63  }
.Ltmp3:
0xb5: {  	(pc) =	sbr.rel .LBB2_2-.Ltmp3, $4  }
0xb6: {  	_ =	swait.ge [sflag:s8], $0x1000  }
0xb7: {  	[sflag:s8] =	ssyncset.done $0x0  }
0xb8: {  	s5 =	sadd.s32 $0x500, s21;
	s20 =	sadd.s32 $0x800, s20;
	[sflag:s8] =	ssyncadd.s32 $0xFFFFF000  }
0xb9: {  	[tilespmem:s29], [sflag:$0x3] =	stream.indirect.gather [hbm4b:s9+s24], $0x20, s5, s24, $0xb8;
	[tilespmem:$0x17C60] =	vst v63  }
.LBB2_5:
0xba: {  	_ =	sfence.sel $0x180000  }
0xbb: {  	[bflag:$0x0] =	sbarrier.arrive $0xFFFF  }
0xbc: {  	_ =	strace $0x9000004A  }
0xbd: {  	[bflag:$0x2] =	sbarrier.arrive $0xFFFF  }
0xbe: {  	s0 =	rddreg [dreg:$0x4]  }
0xbf: {  	s0 =	sadd.s32 @!p0 $0x100000, s0  }
0xc0: {  	[sflag:s0] =	ssyncadd.tile.s32 @!p0 $0x1;
	_ =	shalt  }
.Lfunc_end2:
_tile_overlayer_lowered:
.L_overlay_start_2:
0xc1: {  	(tag) =	ssettag $0x2  }
0xc2: {  	s0 =	rddreg [dreg:$0x0];
	s2 =	stileid.u32  }
0xc3: {  	s1 =	rddreg [dreg:$0x1];
	p0 =	sne.s32 s2, $0x0  }
0xc4: {  	s3 =	rddreg [dreg:$0x2];
	[bflag:$0x3] =	sbarrier.arrive $0xFFFF;
	s2 =	simm.s32 @!p0 $0x1C09  }
0xc5: {  	[timem:s3], [sflag:s2] =	dma.local @!p0 [hbm:s0], s1  }
0xc6: {  	s0 =	simm.s32 @!p0 $0x9  }
0xc7: {  	_ =	swait.ge @!p0 [sflag:s0], s1  }
0xc8: {  	s1 =	ssub.s32 @!p0 $0x0, s1;
	[sflag:s0] =	ssyncset.done @!p0 $0x0  }
0xc9: {  	[sflag:s0] =	ssyncadd.s32 @!p0 s1  }
0xca: {  	[bflag:$0x3] =	sbarrier.arrive $0xFFFF  }
0xcb: {  	_ =	shalt  }

</sc_bundles>
